<compile_context>
chip_gen: v7x
topology: tpu7x:2x2x1
jax: 0.10.2.dev20260603
libtpu: 0.0.44.dev20260713+nightly
codegen_flags: <defaults>
</compile_context>

<pallas_src>
import functools

import jax
import jax.numpy as jnp
from jax import lax
from jax.experimental import pallas as pl
from jax.experimental.pallas import tpu as pltpu
from jax.experimental.pallas import tpu_sc as plsc

N, D = 16384, 2048
NC, NS = 2, 16
NW = NC * NS
ROWS_W = N // NW
CHUNK = 8
NCHUNK = ROWS_W // CHUNK
GPC = CHUNK // 4
NBUF = 6
AHEAD = 4


def _sc_body(x_hbm, o_hbm, *refs):
    bufs = refs[:NBUF]
    sins = refs[NBUF:2 * NBUF]
    souts = refs[2 * NBUF:3 * NBUF]

    wid = lax.axis_index("c") * NS + lax.axis_index("s")
    base = wid * ROWS_W

    zero = jnp.zeros((16,), jnp.float32)

    def gather(k, b):
        return pltpu.make_async_copy(
            x_hbm.at[pl.ds(base + k * CHUNK, CHUNK)], bufs[b], sins[b]
        )

    def write(k, b):
        return pltpu.make_async_copy(
            bufs[b], o_hbm.at[pl.ds(base + k * CHUNK, CHUNK)], souts[b]
        )

    for k0 in range(AHEAD):
        gather(k0, k0).start()

    def step(k, c):
        for b in range(NBUF):

            @pl.when(k % NBUF == b)
            def _():
                gather(k, b).wait()

                def zrow(j, cc):
                    for g in range(GPC):
                        for u in range(4):
                            bufs[b][4 * g, pl.ds((4 * j + u) * 16, 16)] = zero
                    return cc

                lax.fori_loop(0, D // 64, zrow, 0)
                write(k, b).start()

                @pl.when(k + AHEAD < NCHUNK)
                def _():
                    bn = (b + AHEAD) % NBUF

                    @pl.when(k >= NBUF - AHEAD)
                    def _():
                        write(k + AHEAD - NBUF, bn).wait()

                    gather(k + AHEAD, bn).start()

        return c

    lax.fori_loop(0, NCHUNK, step, 0)

    for k in range(max(0, NCHUNK - NBUF), NCHUNK):
        write(k, k % NBUF).wait()


_sc_kernel = functools.partial(
    pl.kernel,
    mesh=plsc.VectorSubcoreMesh(core_axis_name="c", subcore_axis_name="s"),
    out_type=jax.ShapeDtypeStruct((N, D), jnp.float32),
    scratch_types=(
        [pltpu.VMEM((CHUNK, D), jnp.float32)] * NBUF
        + [pltpu.SemaphoreType.DMA] * (2 * NBUF)
    ),
)(_sc_body)


def kernel(x):
    return _sc_kernel(x)

# --- scband reference (transcript-rebuilt; emitter-appended) ---
"""Pipeline reference for scband-activation-27539330302346 (READ-ONLY COPY).

The authoritative reference and input builder live on the scoring server;
editing this copy changes nothing except your own understanding.
"""

import jax, jax.numpy as jnp
import numpy as np

INTERVAL = 4

def setup_inputs(seed: int = 0) -> dict:
    key = jax.random.key(seed)
    x = jax.random.normal(key, (16384, 2048), dtype=jnp.float32)
    return {"x": x}

def reference(x):
    # interval_activation: zero out every INTERVAL-th slice along dim 0
    mask = jnp.ones_like(x).at[::INTERVAL].set(0.0)
    return x * mask

if __name__ == "__main__":
    import jax
    _d = setup_inputs()
    print(jax.jit(kernel)(*tuple(_d.values())))

</pallas_src>

<mosaic_0001>
#map = affine_map<(d0, d1) -> (0, 0)>
module attributes {stable_mosaic.version = 14 : i64} {
  func.func @_sc_body(%arg0: i32, %arg1: i32, %arg2: memref<16384x2048xf32, #tpu.memory_space<hbm>>, %arg3: memref<16384x2048xf32, #tpu.memory_space<hbm>>, %arg4: memref<8x2048xf32, #tpu.memory_space<vmem>>, %arg5: memref<8x2048xf32, #tpu.memory_space<vmem>>, %arg6: memref<8x2048xf32, #tpu.memory_space<vmem>>, %arg7: memref<8x2048xf32, #tpu.memory_space<vmem>>, %arg8: memref<8x2048xf32, #tpu.memory_space<vmem>>, %arg9: memref<8x2048xf32, #tpu.memory_space<vmem>>, %arg10: memref<!tpu.dma_semaphore, #tpu.memory_space<semaphore_mem>>, %arg11: memref<!tpu.dma_semaphore, #tpu.memory_space<semaphore_mem>>, %arg12: memref<!tpu.dma_semaphore, #tpu.memory_space<semaphore_mem>>, %arg13: memref<!tpu.dma_semaphore, #tpu.memory_space<semaphore_mem>>, %arg14: memref<!tpu.dma_semaphore, #tpu.memory_space<semaphore_mem>>, %arg15: memref<!tpu.dma_semaphore, #tpu.memory_space<semaphore_mem>>, %arg16: memref<!tpu.dma_semaphore, #tpu.memory_space<semaphore_mem>>, %arg17: memref<!tpu.dma_semaphore, #tpu.memory_space<semaphore_mem>>, %arg18: memref<!tpu.dma_semaphore, #tpu.memory_space<semaphore_mem>>, %arg19: memref<!tpu.dma_semaphore, #tpu.memory_space<semaphore_mem>>, %arg20: memref<!tpu.dma_semaphore, #tpu.memory_space<semaphore_mem>>, %arg21: memref<!tpu.dma_semaphore, #tpu.memory_space<semaphore_mem>>) attributes {dimension_semantics = [#tpu.dimension_semantics<core_parallel>, #tpu.dimension_semantics<subcore_parallel>], iteration_bounds = array<i64: 2, 16>, scalar_prefetch = 0 : i64, scratch_operands = 18 : i64, tpu.core_type = #tpu.core_type<sc_vector_subcore>, window_params = [{transform_indices = #map}, {transform_indices = #map}]} {
    %mul3A = arith.constant 16 : i32
    %mul3A_0 = arith.muli %arg0, %mul3A : i32
    %add3A = arith.addi %mul3A_0, %arg1 : i32
    %mul3A_1 = arith.constant 512 : i32
    %mul3A_2 = arith.muli %add3A, %mul3A_1 : i32
    %broadcast_in_dim3A = arith.constant 0.000000e+00 : f32
    %broadcast_in_dim3A_3 = vector.broadcast %broadcast_in_dim3A : f32 to vector<16xf32>
    %add3A_4 = arith.constant 0 : i32
    %add3A_5 = arith.addi %mul3A_2, %add3A_4 : i32
    %dma_start3A = arith.constant 0 : i32
    %dma_start3A_6 = tpu.memref_slice %arg2[%add3A_5, %dma_start3A] : memref<16384x2048xf32, #tpu.memory_space<hbm>> -> memref<8x2048xf32, #tpu.memory_space<hbm>>
    %dma_start3A_7 = arith.constant 0 : i32
    %dma_start3A_8 = tpu.memref_slice %arg2[%add3A_5, %dma_start3A_7] : memref<16384x2048xf32, #tpu.memory_space<hbm>> -> memref<8x2048xf32, #tpu.memory_space<hbm>>
    tpu.enqueue_dma source(%dma_start3A_8 : memref<8x2048xf32, #tpu.memory_space<hbm>>) target(%arg4 : memref<8x2048xf32, #tpu.memory_space<vmem>>) target_semaphore(%arg10 : memref<!tpu.dma_semaphore, #tpu.memory_space<semaphore_mem>>)
    %add3A_9 = arith.constant 8 : i32
    %add3A_10 = arith.addi %mul3A_2, %add3A_9 : i32
    %dma_start3A_11 = arith.constant 0 : i32
    %dma_start3A_12 = tpu.memref_slice %arg2[%add3A_10, %dma_start3A_11] : memref<16384x2048xf32, #tpu.memory_space<hbm>> -> memref<8x2048xf32, #tpu.memory_space<hbm>>
    %dma_start3A_13 = arith.constant 0 : i32
    %dma_start3A_14 = tpu.memref_slice %arg2[%add3A_10, %dma_start3A_13] : memref<16384x2048xf32, #tpu.memory_space<hbm>> -> memref<8x2048xf32, #tpu.memory_space<hbm>>
    tpu.enqueue_dma source(%dma_start3A_14 : memref<8x2048xf32, #tpu.memory_space<hbm>>) target(%arg5 : memref<8x2048xf32, #tpu.memory_space<vmem>>) target_semaphore(%arg11 : memref<!tpu.dma_semaphore, #tpu.memory_space<semaphore_mem>>)
    %add3A_15 = arith.constant 16 : i32
    %add3A_16 = arith.addi %mul3A_2, %add3A_15 : i32
    %dma_start3A_17 = arith.constant 0 : i32
    %dma_start3A_18 = tpu.memref_slice %arg2[%add3A_16, %dma_start3A_17] : memref<16384x2048xf32, #tpu.memory_space<hbm>> -> memref<8x2048xf32, #tpu.memory_space<hbm>>
    %dma_start3A_19 = arith.constant 0 : i32
    %dma_start3A_20 = tpu.memref_slice %arg2[%add3A_16, %dma_start3A_19] : memref<16384x2048xf32, #tpu.memory_space<hbm>> -> memref<8x2048xf32, #tpu.memory_space<hbm>>
    tpu.enqueue_dma source(%dma_start3A_20 : memref<8x2048xf32, #tpu.memory_space<hbm>>) target(%arg6 : memref<8x2048xf32, #tpu.memory_space<vmem>>) target_semaphore(%arg12 : memref<!tpu.dma_semaphore, #tpu.memory_space<semaphore_mem>>)
    %add3A_21 = arith.constant 24 : i32
    %add3A_22 = arith.addi %mul3A_2, %add3A_21 : i32
    %dma_start3A_23 = arith.constant 0 : i32
    %dma_start3A_24 = tpu.memref_slice %arg2[%add3A_22, %dma_start3A_23] : memref<16384x2048xf32, #tpu.memory_space<hbm>> -> memref<8x2048xf32, #tpu.memory_space<hbm>>
    %dma_start3A_25 = arith.constant 0 : i32
    %dma_start3A_26 = tpu.memref_slice %arg2[%add3A_22, %dma_start3A_25] : memref<16384x2048xf32, #tpu.memory_space<hbm>> -> memref<8x2048xf32, #tpu.memory_space<hbm>>
    tpu.enqueue_dma source(%dma_start3A_26 : memref<8x2048xf32, #tpu.memory_space<hbm>>) target(%arg7 : memref<8x2048xf32, #tpu.memory_space<vmem>>) target_semaphore(%arg13 : memref<!tpu.dma_semaphore, #tpu.memory_space<semaphore_mem>>)
    %scan3A = arith.constant 0 : i32
    %scan3A_27 = arith.constant 0 : i32
    %scan3A_28 = arith.constant 64 : i32
    %scan3A_29 = arith.addi %scan3A_27, %scan3A_28 : i32
    %scan3A_30 = arith.constant 1 : i32
    scf.for %scan3A_67 = %scan3A_27 to %scan3A_29 step %scan3A_30  : i32 {
      %jit3A = arith.constant 6 : i32
      %eq3A = arith.constant 0 : i32
      %eq3A_68 = arith.cmpi eq, %jit3A, %eq3A : i32
      %jit3A_69 = arith.constant 1 : i32
      %select_n3A = arith.select %eq3A_68, %jit3A_69, %jit3A : i32
      %rem3A = arith.remsi %scan3A_67, %select_n3A : i32
      %ne3A = arith.constant 0 : i32
      %ne3A_70 = arith.cmpi ne, %rem3A, %ne3A : i32
      %lt3A = arith.constant 0 : i32
      %lt3A_71 = arith.cmpi slt, %rem3A, %lt3A : i32
      %lt3A_72 = arith.constant 0 : i32
      %lt3A_73 = arith.cmpi slt, %select_n3A, %lt3A_72 : i32
      %ne3A_74 = arith.xori %lt3A_71, %lt3A_73 : i1
      %and3A = arith.andi %ne3A_74, %ne3A_70 : i1
      %add3A_75 = arith.addi %rem3A, %select_n3A : i32
      %select_n3A_76 = arith.select %and3A, %add3A_75, %rem3A : i32
      %eq3A_77 = arith.constant 0 : i32
      %eq3A_78 = arith.cmpi eq, %select_n3A_76, %eq3A_77 : i32
      %convert_element_type3A = arith.extui %eq3A_78 : i1 to i32
      %cond3A = arith.constant 0 : i32
      %cond3A_79 = arith.cmpi ne, %convert_element_type3A, %cond3A : i32
      scf.if %cond3A_79 {
        %mul3A_185 = arith.constant 8 : i32
        %mul3A_186 = arith.muli %scan3A_67, %mul3A_185 : i32
        %add3A_187 = arith.addi %mul3A_2, %mul3A_186 : i32
        %dma_wait3A_188 = arith.constant 0 : i32
        %dma_wait3A_189 = tpu.memref_slice %arg2[%add3A_187, %dma_wait3A_188] : memref<16384x2048xf32, #tpu.memory_space<hbm>> -> memref<8x2048xf32, #tpu.memory_space<hbm>>
        %dma_wait3A_190 = arith.constant 0 : i32
        %dma_wait3A_191 = tpu.memref_slice %arg2[%add3A_187, %dma_wait3A_190] : memref<16384x2048xf32, #tpu.memory_space<hbm>> -> memref<8x2048xf32, #tpu.memory_space<hbm>>
        tpu.wait_dma2 semaphore(%arg10 : memref<!tpu.dma_semaphore, #tpu.memory_space<semaphore_mem>>) src(%dma_wait3A_191 : memref<8x2048xf32, #tpu.memory_space<hbm>>) dst(%arg4 : memref<8x2048xf32, #tpu.memory_space<vmem>>)
        %scan3A_192 = arith.constant 0 : i32
        %scan3A_193 = arith.constant 0 : i32
        %scan3A_194 = arith.constant 32 : i32
        %scan3A_195 = arith.addi %scan3A_193, %scan3A_194 : i32
        %scan3A_196 = arith.constant 1 : i32
        scf.for %scan3A_212 = %scan3A_193 to %scan3A_195 step %scan3A_196  : i32 {
          %mul3A_213 = arith.constant 4 : i32
          %mul3A_214 = arith.muli %mul3A_213, %scan3A_212 : i32
          %add3A_215 = arith.constant 0 : i32
          %add3A_216 = arith.addi %mul3A_214, %add3A_215 : i32
          %mul3A_217 = arith.constant 16 : i32
          %mul3A_218 = arith.muli %add3A_216, %mul3A_217 : i32
          %swap3A = arith.constant 0 : i32
          %swap3A_219 = arith.index_cast %swap3A : i32 to index
          %swap3A_220 = arith.index_cast %mul3A_218 : i32 to index
          %swap3A_221 = tpu.vector_load %arg4[%swap3A_219, %swap3A_220] {strides = array<i32>} : memref<8x2048xf32, #tpu.memory_space<vmem>>, vector<1x16xf32>,
          %swap3A_222 = vector.shape_cast %swap3A_221 : vector<1x16xf32> to vector<16xf32>
          %swap3A_223 = vector.shape_cast %broadcast_in_dim3A_3 : vector<16xf32> to vector<1x16xf32>
          tpu.vector_store %arg4[%swap3A_219, %swap3A_220], %swap3A_223 {strides = array<i32>} : memref<8x2048xf32, #tpu.memory_space<vmem>>, vector<1x16xf32>,
          %mul3A_224 = arith.constant 4 : i32
          %mul3A_225 = arith.muli %mul3A_224, %scan3A_212 : i32
          %add3A_226 = arith.constant 1 : i32
          %add3A_227 = arith.addi %mul3A_225, %add3A_226 : i32
          %mul3A_228 = arith.constant 16 : i32
          %mul3A_229 = arith.muli %add3A_227, %mul3A_228 : i32
          %swap3A_230 = arith.constant 0 : i32
          %swap3A_231 = arith.index_cast %swap3A_230 : i32 to index
          %swap3A_232 = arith.index_cast %mul3A_229 : i32 to index
          %swap3A_233 = tpu.vector_load %arg4[%swap3A_231, %swap3A_232] {strides = array<i32>} : memref<8x2048xf32, #tpu.memory_space<vmem>>, vector<1x16xf32>,
          %swap3A_234 = vector.shape_cast %swap3A_233 : vector<1x16xf32> to vector<16xf32>
          %swap3A_235 = vector.shape_cast %broadcast_in_dim3A_3 : vector<16xf32> to vector<1x16xf32>
          tpu.vector_store %arg4[%swap3A_231, %swap3A_232], %swap3A_235 {strides = array<i32>} : memref<8x2048xf32, #tpu.memory_space<vmem>>, vector<1x16xf32>,
          %mul3A_236 = arith.constant 4 : i32
          %mul3A_237 = arith.muli %mul3A_236, %scan3A_212 : i32
          %add3A_238 = arith.constant 2 : i32
          %add3A_239 = arith.addi %mul3A_237, %add3A_238 : i32
          %mul3A_240 = arith.constant 16 : i32
          %mul3A_241 = arith.muli %add3A_239, %mul3A_240 : i32
          %swap3A_242 = arith.constant 0 : i32
          %swap3A_243 = arith.index_cast %swap3A_242 : i32 to index
          %swap3A_244 = arith.index_cast %mul3A_241 : i32 to index
          %swap3A_245 = tpu.vector_load %arg4[%swap3A_243, %swap3A_244] {strides = array<i32>} : memref<8x2048xf32, #tpu.memory_space<vmem>>, vector<1x16xf32>,
          %swap3A_246 = vector.shape_cast %swap3A_245 : vector<1x16xf32> to vector<16xf32>
          %swap3A_247 = vector.shape_cast %broadcast_in_dim3A_3 : vector<16xf32> to vector<1x16xf32>
          tpu.vector_store %arg4[%swap3A_243, %swap3A_244], %swap3A_247 {strides = array<i32>} : memref<8x2048xf32, #tpu.memory_space<vmem>>, vector<1x16xf32>,
          %mul3A_248 = arith.constant 4 : i32
          %mul3A_249 = arith.muli %mul3A_248, %scan3A_212 : i32
          %add3A_250 = arith.constant 3 : i32
          %add3A_251 = arith.addi %mul3A_249, %add3A_250 : i32
          %mul3A_252 = arith.constant 16 : i32
          %mul3A_253 = arith.muli %add3A_251, %mul3A_252 : i32
          %swap3A_254 = arith.constant 0 : i32
          %swap3A_255 = arith.index_cast %swap3A_254 : i32 to index
          %swap3A_256 = arith.index_cast %mul3A_253 : i32 to index
          %swap3A_257 = tpu.vector_load %arg4[%swap3A_255, %swap3A_256] {strides = array<i32>} : memref<8x2048xf32, #tpu.memory_space<vmem>>, vector<1x16xf32>,
          %swap3A_258 = vector.shape_cast %swap3A_257 : vector<1x16xf32> to vector<16xf32>
          %swap3A_259 = vector.shape_cast %broadcast_in_dim3A_3 : vector<16xf32> to vector<1x16xf32>
          tpu.vector_store %arg4[%swap3A_255, %swap3A_256], %swap3A_259 {strides = array<i32>} : memref<8x2048xf32, #tpu.memory_space<vmem>>, vector<1x16xf32>,
          %mul3A_260 = arith.constant 4 : i32
          %mul3A_261 = arith.muli %mul3A_260, %scan3A_212 : i32
          %add3A_262 = arith.constant 0 : i32
          %add3A_263 = arith.addi %mul3A_261, %add3A_262 : i32
          %mul3A_264 = arith.constant 16 : i32
          %mul3A_265 = arith.muli %add3A_263, %mul3A_264 : i32
          %swap3A_266 = arith.constant 4 : i32
          %swap3A_267 = arith.index_cast %swap3A_266 : i32 to index
          %swap3A_268 = arith.index_cast %mul3A_265 : i32 to index
          %swap3A_269 = tpu.vector_load %arg4[%swap3A_267, %swap3A_268] {strides = array<i32>} : memref<8x2048xf32, #tpu.memory_space<vmem>>, vector<1x16xf32>,
          %swap3A_270 = vector.shape_cast %swap3A_269 : vector<1x16xf32> to vector<16xf32>
          %swap3A_271 = vector.shape_cast %broadcast_in_dim3A_3 : vector<16xf32> to vector<1x16xf32>
          tpu.vector_store %arg4[%swap3A_267, %swap3A_268], %swap3A_271 {strides = array<i32>} : memref<8x2048xf32, #tpu.memory_space<vmem>>, vector<1x16xf32>,
          %mul3A_272 = arith.constant 4 : i32
          %mul3A_273 = arith.muli %mul3A_272, %scan3A_212 : i32
          %add3A_274 = arith.constant 1 : i32
          %add3A_275 = arith.addi %mul3A_273, %add3A_274 : i32
          %mul3A_276 = arith.constant 16 : i32
          %mul3A_277 = arith.muli %add3A_275, %mul3A_276 : i32
          %swap3A_278 = arith.constant 4 : i32
          %swap3A_279 = arith.index_cast %swap3A_278 : i32 to index
          %swap3A_280 = arith.index_cast %mul3A_277 : i32 to index
          %swap3A_281 = tpu.vector_load %arg4[%swap3A_279, %swap3A_280] {strides = array<i32>} : memref<8x2048xf32, #tpu.memory_space<vmem>>, vector<1x16xf32>,
          %swap3A_282 = vector.shape_cast %swap3A_281 : vector<1x16xf32> to vector<16xf32>
          %swap3A_283 = vector.shape_cast %broadcast_in_dim3A_3 : vector<16xf32> to vector<1x16xf32>
          tpu.vector_store %arg4[%swap3A_279, %swap3A_280], %swap3A_283 {strides = array<i32>} : memref<8x2048xf32, #tpu.memory_space<vmem>>, vector<1x16xf32>,
          %mul3A_284 = arith.constant 4 : i32
          %mul3A_285 = arith.muli %mul3A_284, %scan3A_212 : i32
          %add3A_286 = arith.constant 2 : i32
          %add3A_287 = arith.addi %mul3A_285, %add3A_286 : i32
          %mul3A_288 = arith.constant 16 : i32
          %mul3A_289 = arith.muli %add3A_287, %mul3A_288 : i32
          %swap3A_290 = arith.constant 4 : i32
          %swap3A_291 = arith.index_cast %swap3A_290 : i32 to index
          %swap3A_292 = arith.index_cast %mul3A_289 : i32 to index
          %swap3A_293 = tpu.vector_load %arg4[%swap3A_291, %swap3A_292] {strides = array<i32>} : memref<8x2048xf32, #tpu.memory_space<vmem>>, vector<1x16xf32>,
          %swap3A_294 = vector.shape_cast %swap3A_293 : vector<1x16xf32> to vector<16xf32>
          %swap3A_295 = vector.shape_cast %broadcast_in_dim3A_3 : vector<16xf32> to vector<1x16xf32>
          tpu.vector_store %arg4[%swap3A_291, %swap3A_292], %swap3A_295 {strides = array<i32>} : memref<8x2048xf32, #tpu.memory_space<vmem>>, vector<1x16xf32>,
          %mul3A_296 = arith.constant 4 : i32
          %mul3A_297 = arith.muli %mul3A_296, %scan3A_212 : i32
          %add3A_298 = arith.constant 3 : i32
          %add3A_299 = arith.addi %mul3A_297, %add3A_298 : i32
          %mul3A_300 = arith.constant 16 : i32
          %mul3A_301 = arith.muli %add3A_299, %mul3A_300 : i32
          %swap3A_302 = arith.constant 4 : i32
          %swap3A_303 = arith.index_cast %swap3A_302 : i32 to index
          %swap3A_304 = arith.index_cast %mul3A_301 : i32 to index
          %swap3A_305 = tpu.vector_load %arg4[%swap3A_303, %swap3A_304] {strides = array<i32>} : memref<8x2048xf32, #tpu.memory_space<vmem>>, vector<1x16xf32>,
          %swap3A_306 = vector.shape_cast %swap3A_305 : vector<1x16xf32> to vector<16xf32>
          %swap3A_307 = vector.shape_cast %broadcast_in_dim3A_3 : vector<16xf32> to vector<1x16xf32>
          tpu.vector_store %arg4[%swap3A_303, %swap3A_304], %swap3A_307 {strides = array<i32>} : memref<8x2048xf32, #tpu.memory_space<vmem>>, vector<1x16xf32>,
        }
        %scan3A_197 = arith.constant 32 : i32
        %mul3A_198 = arith.constant 8 : i32
        %mul3A_199 = arith.muli %scan3A_67, %mul3A_198 : i32
        %add3A_200 = arith.addi %mul3A_2, %mul3A_199 : i32
        %dma_start3A_201 = arith.constant 0 : i32
        %dma_start3A_202 = tpu.memref_slice %arg3[%add3A_200, %dma_start3A_201] : memref<16384x2048xf32, #tpu.memory_space<hbm>> -> memref<8x2048xf32, #tpu.memory_space<hbm>>
        %dma_start3A_203 = arith.constant 0 : i32
        %dma_start3A_204 = tpu.memref_slice %arg3[%add3A_200, %dma_start3A_203] : memref<16384x2048xf32, #tpu.memory_space<hbm>> -> memref<8x2048xf32, #tpu.memory_space<hbm>>
        tpu.enqueue_dma source(%arg4 : memref<8x2048xf32, #tpu.memory_space<vmem>>) target(%dma_start3A_204 : memref<8x2048xf32, #tpu.memory_space<hbm>>) target_semaphore(%arg16 : memref<!tpu.dma_semaphore, #tpu.memory_space<semaphore_mem>>)
        %add3A_205 = arith.constant 4 : i32
        %add3A_206 = arith.addi %scan3A_67, %add3A_205 : i32
        %lt3A_207 = arith.constant 64 : i32
        %lt3A_208 = arith.cmpi slt, %add3A_206, %lt3A_207 : i32
        %convert_element_type3A_209 = arith.extui %lt3A_208 : i1 to i32
        %cond3A_210 = arith.constant 0 : i32
        %cond3A_211 = arith.cmpi ne, %convert_element_type3A_209, %cond3A_210 : i32
        scf.if %cond3A_211 {
          %ge3A = arith.constant 2 : i32
          %ge3A_212 = arith.cmpi sge, %scan3A_67, %ge3A : i32
          %convert_element_type3A_213 = arith.extui %ge3A_212 : i1 to i32
          %cond3A_214 = arith.constant 0 : i32
          %cond3A_215 = arith.cmpi ne, %convert_element_type3A_213, %cond3A_214 : i32
          scf.if %cond3A_215 {
            %add3A_225 = arith.constant 4 : i32
            %add3A_226 = arith.addi %scan3A_67, %add3A_225 : i32
            %sub3A = arith.constant 6 : i32
            %sub3A_227 = arith.subi %add3A_226, %sub3A : i32
            %mul3A_228 = arith.constant 8 : i32
            %mul3A_229 = arith.muli %sub3A_227, %mul3A_228 : i32
            %add3A_230 = arith.addi %mul3A_2, %mul3A_229 : i32
            %dma_wait3A_231 = arith.constant 0 : i32
            %dma_wait3A_232 = tpu.memref_slice %arg3[%add3A_230, %dma_wait3A_231] : memref<16384x2048xf32, #tpu.memory_space<hbm>> -> memref<8x2048xf32, #tpu.memory_space<hbm>>
            %dma_wait3A_233 = arith.constant 0 : i32
            %dma_wait3A_234 = tpu.memref_slice %arg3[%add3A_230, %dma_wait3A_233] : memref<16384x2048xf32, #tpu.memory_space<hbm>> -> memref<8x2048xf32, #tpu.memory_space<hbm>>
            tpu.wait_dma2 semaphore(%arg20 : memref<!tpu.dma_semaphore, #tpu.memory_space<semaphore_mem>>) src(%arg8 : memref<8x2048xf32, #tpu.memory_space<vmem>>) dst(%dma_wait3A_234 : memref<8x2048xf32, #tpu.memory_space<hbm>>)
          } else {
          }
          %add3A_216 = arith.constant 4 : i32
          %add3A_217 = arith.addi %scan3A_67, %add3A_216 : i32
          %mul3A_218 = arith.constant 8 : i32
          %mul3A_219 = arith.muli %add3A_217, %mul3A_218 : i32
          %add3A_220 = arith.addi %mul3A_2, %mul3A_219 : i32
          %dma_start3A_221 = arith.constant 0 : i32
          %dma_start3A_222 = tpu.memref_slice %arg2[%add3A_220, %dma_start3A_221] : memref<16384x2048xf32, #tpu.memory_space<hbm>> -> memref<8x2048xf32, #tpu.memory_space<hbm>>
          %dma_start3A_223 = arith.constant 0 : i32
          %dma_start3A_224 = tpu.memref_slice %arg2[%add3A_220, %dma_start3A_223] : memref<16384x2048xf32, #tpu.memory_space<hbm>> -> memref<8x2048xf32, #tpu.memory_space<hbm>>
          tpu.enqueue_dma source(%dma_start3A_224 : memref<8x2048xf32, #tpu.memory_space<hbm>>) target(%arg8 : memref<8x2048xf32, #tpu.memory_space<vmem>>) target_semaphore(%arg14 : memref<!tpu.dma_semaphore, #tpu.memory_space<semaphore_mem>>)
        } else {
        }
      } else {
      }
      %jit3A_80 = arith.constant 6 : i32
      %eq3A_81 = arith.constant 0 : i32
      %eq3A_82 = arith.cmpi eq, %jit3A_80, %eq3A_81 : i32
      %jit3A_83 = arith.constant 1 : i32
      %select_n3A_84 = arith.select %eq3A_82, %jit3A_83, %jit3A_80 : i32
      %rem3A_85 = arith.remsi %scan3A_67, %select_n3A_84 : i32
      %ne3A_86 = arith.constant 0 : i32
      %ne3A_87 = arith.cmpi ne, %rem3A_85, %ne3A_86 : i32
      %lt3A_88 = arith.constant 0 : i32
      %lt3A_89 = arith.cmpi slt, %rem3A_85, %lt3A_88 : i32
      %lt3A_90 = arith.constant 0 : i32
      %lt3A_91 = arith.cmpi slt, %select_n3A_84, %lt3A_90 : i32
      %ne3A_92 = arith.xori %lt3A_89, %lt3A_91 : i1
      %and3A_93 = arith.andi %ne3A_92, %ne3A_87 : i1
      %add3A_94 = arith.addi %rem3A_85, %select_n3A_84 : i32
      %select_n3A_95 = arith.select %and3A_93, %add3A_94, %rem3A_85 : i32
      %eq3A_96 = arith.constant 1 : i32
      %eq3A_97 = arith.cmpi eq, %select_n3A_95, %eq3A_96 : i32
      %convert_element_type3A_98 = arith.extui %eq3A_97 : i1 to i32
      %cond3A_99 = arith.constant 0 : i32
      %cond3A_100 = arith.cmpi ne, %convert_element_type3A_98, %cond3A_99 : i32
      scf.if %cond3A_100 {
        %mul3A_185 = arith.constant 8 : i32
        %mul3A_186 = arith.muli %scan3A_67, %mul3A_185 : i32
        %add3A_187 = arith.addi %mul3A_2, %mul3A_186 : i32
        %dma_wait3A_188 = arith.constant 0 : i32
        %dma_wait3A_189 = tpu.memref_slice %arg2[%add3A_187, %dma_wait3A_188] : memref<16384x2048xf32, #tpu.memory_space<hbm>> -> memref<8x2048xf32, #tpu.memory_space<hbm>>
        %dma_wait3A_190 = arith.constant 0 : i32
        %dma_wait3A_191 = tpu.memref_slice %arg2[%add3A_187, %dma_wait3A_190] : memref<16384x2048xf32, #tpu.memory_space<hbm>> -> memref<8x2048xf32, #tpu.memory_space<hbm>>
        tpu.wait_dma2 semaphore(%arg11 : memref<!tpu.dma_semaphore, #tpu.memory_space<semaphore_mem>>) src(%dma_wait3A_191 : memref<8x2048xf32, #tpu.memory_space<hbm>>) dst(%arg5 : memref<8x2048xf32, #tpu.memory_space<vmem>>)
        %scan3A_192 = arith.constant 0 : i32
        %scan3A_193 = arith.constant 0 : i32
        %scan3A_194 = arith.constant 32 : i32
        %scan3A_195 = arith.addi %scan3A_193, %scan3A_194 : i32
        %scan3A_196 = arith.constant 1 : i32
        scf.for %scan3A_212 = %scan3A_193 to %scan3A_195 step %scan3A_196  : i32 {
          %mul3A_213 = arith.constant 4 : i32
          %mul3A_214 = arith.muli %mul3A_213, %scan3A_212 : i32
          %add3A_215 = arith.constant 0 : i32
          %add3A_216 = arith.addi %mul3A_214, %add3A_215 : i32
          %mul3A_217 = arith.constant 16 : i32
          %mul3A_218 = arith.muli %add3A_216, %mul3A_217 : i32
          %swap3A = arith.constant 0 : i32
          %swap3A_219 = arith.index_cast %swap3A : i32 to index
          %swap3A_220 = arith.index_cast %mul3A_218 : i32 to index
          %swap3A_221 = tpu.vector_load %arg5[%swap3A_219, %swap3A_220] {strides = array<i32>} : memref<8x2048xf32, #tpu.memory_space<vmem>>, vector<1x16xf32>,
          %swap3A_222 = vector.shape_cast %swap3A_221 : vector<1x16xf32> to vector<16xf32>
          %swap3A_223 = vector.shape_cast %broadcast_in_dim3A_3 : vector<16xf32> to vector<1x16xf32>
          tpu.vector_store %arg5[%swap3A_219, %swap3A_220], %swap3A_223 {strides = array<i32>} : memref<8x2048xf32, #tpu.memory_space<vmem>>, vector<1x16xf32>,
          %mul3A_224 = arith.constant 4 : i32
          %mul3A_225 = arith.muli %mul3A_224, %scan3A_212 : i32
          %add3A_226 = arith.constant 1 : i32
          %add3A_227 = arith.addi %mul3A_225, %add3A_226 : i32
          %mul3A_228 = arith.constant 16 : i32
          %mul3A_229 = arith.muli %add3A_227, %mul3A_228 : i32
          %swap3A_230 = arith.constant 0 : i32
          %swap3A_231 = arith.index_cast %swap3A_230 : i32 to index
          %swap3A_232 = arith.index_cast %mul3A_229 : i32 to index
          %swap3A_233 = tpu.vector_load %arg5[%swap3A_231, %swap3A_232] {strides = array<i32>} : memref<8x2048xf32, #tpu.memory_space<vmem>>, vector<1x16xf32>,
          %swap3A_234 = vector.shape_cast %swap3A_233 : vector<1x16xf32> to vector<16xf32>
          %swap3A_235 = vector.shape_cast %broadcast_in_dim3A_3 : vector<16xf32> to vector<1x16xf32>
          tpu.vector_store %arg5[%swap3A_231, %swap3A_232], %swap3A_235 {strides = array<i32>} : memref<8x2048xf32, #tpu.memory_space<vmem>>, vector<1x16xf32>,
          %mul3A_236 = arith.constant 4 : i32
          %mul3A_237 = arith.muli %mul3A_236, %scan3A_212 : i32
          %add3A_238 = arith.constant 2 : i32
          %add3A_239 = arith.addi %mul3A_237, %add3A_238 : i32
          %mul3A_240 = arith.constant 16 : i32
          %mul3A_241 = arith.muli %add3A_239, %mul3A_240 : i32
          %swap3A_242 = arith.constant 0 : i32
          %swap3A_243 = arith.index_cast %swap3A_242 : i32 to index
          %swap3A_244 = arith.index_cast %mul3A_241 : i32 to index
          %swap3A_245 = tpu.vector_load %arg5[%swap3A_243, %swap3A_244] {strides = array<i32>} : memref<8x2048xf32, #tpu.memory_space<vmem>>, vector<1x16xf32>,
          %swap3A_246 = vector.shape_cast %swap3A_245 : vector<1x16xf32> to vector<16xf32>
          %swap3A_247 = vector.shape_cast %broadcast_in_dim3A_3 : vector<16xf32> to vector<1x16xf32>
          tpu.vector_store %arg5[%swap3A_243, %swap3A_244], %swap3A_247 {strides = array<i32>} : memref<8x2048xf32, #tpu.memory_space<vmem>>, vector<1x16xf32>,
          %mul3A_248 = arith.constant 4 : i32
          %mul3A_249 = arith.muli %mul3A_248, %scan3A_212 : i32
          %add3A_250 = arith.constant 3 : i32
          %add3A_251 = arith.addi %mul3A_249, %add3A_250 : i32
          %mul3A_252 = arith.constant 16 : i32
          %mul3A_253 = arith.muli %add3A_251, %mul3A_252 : i32
          %swap3A_254 = arith.constant 0 : i32
          %swap3A_255 = arith.index_cast %swap3A_254 : i32 to index
          %swap3A_256 = arith.index_cast %mul3A_253 : i32 to index
          %swap3A_257 = tpu.vector_load %arg5[%swap3A_255, %swap3A_256] {strides = array<i32>} : memref<8x2048xf32, #tpu.memory_space<vmem>>, vector<1x16xf32>,
          %swap3A_258 = vector.shape_cast %swap3A_257 : vector<1x16xf32> to vector<16xf32>
          %swap3A_259 = vector.shape_cast %broadcast_in_dim3A_3 : vector<16xf32> to vector<1x16xf32>
          tpu.vector_store %arg5[%swap3A_255, %swap3A_256], %swap3A_259 {strides = array<i32>} : memref<8x2048xf32, #tpu.memory_space<vmem>>, vector<1x16xf32>,
          %mul3A_260 = arith.constant 4 : i32
          %mul3A_261 = arith.muli %mul3A_260, %scan3A_212 : i32
          %add3A_262 = arith.constant 0 : i32
          %add3A_263 = arith.addi %mul3A_261, %add3A_262 : i32
          %mul3A_264 = arith.constant 16 : i32
          %mul3A_265 = arith.muli %add3A_263, %mul3A_264 : i32
          %swap3A_266 = arith.constant 4 : i32
          %swap3A_267 = arith.index_cast %swap3A_266 : i32 to index
          %swap3A_268 = arith.index_cast %mul3A_265 : i32 to index
          %swap3A_269 = tpu.vector_load %arg5[%swap3A_267, %swap3A_268] {strides = array<i32>} : memref<8x2048xf32, #tpu.memory_space<vmem>>, vector<1x16xf32>,
          %swap3A_270 = vector.shape_cast %swap3A_269 : vector<1x16xf32> to vector<16xf32>
          %swap3A_271 = vector.shape_cast %broadcast_in_dim3A_3 : vector<16xf32> to vector<1x16xf32>
          tpu.vector_store %arg5[%swap3A_267, %swap3A_268], %swap3A_271 {strides = array<i32>} : memref<8x2048xf32, #tpu.memory_space<vmem>>, vector<1x16xf32>,
          %mul3A_272 = arith.constant 4 : i32
          %mul3A_273 = arith.muli %mul3A_272, %scan3A_212 : i32
          %add3A_274 = arith.constant 1 : i32
          %add3A_275 = arith.addi %mul3A_273, %add3A_274 : i32
          %mul3A_276 = arith.constant 16 : i32
          %mul3A_277 = arith.muli %add3A_275, %mul3A_276 : i32
          %swap3A_278 = arith.constant 4 : i32
          %swap3A_279 = arith.index_cast %swap3A_278 : i32 to index
          %swap3A_280 = arith.index_cast %mul3A_277 : i32 to index
          %swap3A_281 = tpu.vector_load %arg5[%swap3A_279, %swap3A_280] {strides = array<i32>} : memref<8x2048xf32, #tpu.memory_space<vmem>>, vector<1x16xf32>,
          %swap3A_282 = vector.shape_cast %swap3A_281 : vector<1x16xf32> to vector<16xf32>
          %swap3A_283 = vector.shape_cast %broadcast_in_dim3A_3 : vector<16xf32> to vector<1x16xf32>
          tpu.vector_store %arg5[%swap3A_279, %swap3A_280], %swap3A_283 {strides = array<i32>} : memref<8x2048xf32, #tpu.memory_space<vmem>>, vector<1x16xf32>,
          %mul3A_284 = arith.constant 4 : i32
          %mul3A_285 = arith.muli %mul3A_284, %scan3A_212 : i32
          %add3A_286 = arith.constant 2 : i32
          %add3A_287 = arith.addi %mul3A_285, %add3A_286 : i32
          %mul3A_288 = arith.constant 16 : i32
          %mul3A_289 = arith.muli %add3A_287, %mul3A_288 : i32
          %swap3A_290 = arith.constant 4 : i32
          %swap3A_291 = arith.index_cast %swap3A_290 : i32 to index
          %swap3A_292 = arith.index_cast %mul3A_289 : i32 to index
          %swap3A_293 = tpu.vector_load %arg5[%swap3A_291, %swap3A_292] {strides = array<i32>} : memref<8x2048xf32, #tpu.memory_space<vmem>>, vector<1x16xf32>,
          %swap3A_294 = vector.shape_cast %swap3A_293 : vector<1x16xf32> to vector<16xf32>
          %swap3A_295 = vector.shape_cast %broadcast_in_dim3A_3 : vector<16xf32> to vector<1x16xf32>
          tpu.vector_store %arg5[%swap3A_291, %swap3A_292], %swap3A_295 {strides = array<i32>} : memref<8x2048xf32, #tpu.memory_space<vmem>>, vector<1x16xf32>,
          %mul3A_296 = arith.constant 4 : i32
          %mul3A_297 = arith.muli %mul3A_296, %scan3A_212 : i32
          %add3A_298 = arith.constant 3 : i32
          %add3A_299 = arith.addi %mul3A_297, %add3A_298 : i32
          %mul3A_300 = arith.constant 16 : i32
          %mul3A_301 = arith.muli %add3A_299, %mul3A_300 : i32
          %swap3A_302 = arith.constant 4 : i32
          %swap3A_303 = arith.index_cast %swap3A_302 : i32 to index
          %swap3A_304 = arith.index_cast %mul3A_301 : i32 to index
          %swap3A_305 = tpu.vector_load %arg5[%swap3A_303, %swap3A_304] {strides = array<i32>} : memref<8x2048xf32, #tpu.memory_space<vmem>>, vector<1x16xf32>,
          %swap3A_306 = vector.shape_cast %swap3A_305 : vector<1x16xf32> to vector<16xf32>
          %swap3A_307 = vector.shape_cast %broadcast_in_dim3A_3 : vector<16xf32> to vector<1x16xf32>
          tpu.vector_store %arg5[%swap3A_303, %swap3A_304], %swap3A_307 {strides = array<i32>} : memref<8x2048xf32, #tpu.memory_space<vmem>>, vector<1x16xf32>,
        }
        %scan3A_197 = arith.constant 32 : i32
        %mul3A_198 = arith.constant 8 : i32
        %mul3A_199 = arith.muli %scan3A_67, %mul3A_198 : i32
        %add3A_200 = arith.addi %mul3A_2, %mul3A_199 : i32
        %dma_start3A_201 = arith.constant 0 : i32
        %dma_start3A_202 = tpu.memref_slice %arg3[%add3A_200, %dma_start3A_201] : memref<16384x2048xf32, #tpu.memory_space<hbm>> -> memref<8x2048xf32, #tpu.memory_space<hbm>>
        %dma_start3A_203 = arith.constant 0 : i32
        %dma_start3A_204 = tpu.memref_slice %arg3[%add3A_200, %dma_start3A_203] : memref<16384x2048xf32, #tpu.memory_space<hbm>> -> memref<8x2048xf32, #tpu.memory_space<hbm>>
        tpu.enqueue_dma source(%arg5 : memref<8x2048xf32, #tpu.memory_space<vmem>>) target(%dma_start3A_204 : memref<8x2048xf32, #tpu.memory_space<hbm>>) target_semaphore(%arg17 : memref<!tpu.dma_semaphore, #tpu.memory_space<semaphore_mem>>)
        %add3A_205 = arith.constant 4 : i32
        %add3A_206 = arith.addi %scan3A_67, %add3A_205 : i32
        %lt3A_207 = arith.constant 64 : i32
        %lt3A_208 = arith.cmpi slt, %add3A_206, %lt3A_207 : i32
        %convert_element_type3A_209 = arith.extui %lt3A_208 : i1 to i32
        %cond3A_210 = arith.constant 0 : i32
        %cond3A_211 = arith.cmpi ne, %convert_element_type3A_209, %cond3A_210 : i32
        scf.if %cond3A_211 {
          %ge3A = arith.constant 2 : i32
          %ge3A_212 = arith.cmpi sge, %scan3A_67, %ge3A : i32
          %convert_element_type3A_213 = arith.extui %ge3A_212 : i1 to i32
          %cond3A_214 = arith.constant 0 : i32
          %cond3A_215 = arith.cmpi ne, %convert_element_type3A_213, %cond3A_214 : i32
          scf.if %cond3A_215 {
            %add3A_225 = arith.constant 4 : i32
            %add3A_226 = arith.addi %scan3A_67, %add3A_225 : i32
            %sub3A = arith.constant 6 : i32
            %sub3A_227 = arith.subi %add3A_226, %sub3A : i32
            %mul3A_228 = arith.constant 8 : i32
            %mul3A_229 = arith.muli %sub3A_227, %mul3A_228 : i32
            %add3A_230 = arith.addi %mul3A_2, %mul3A_229 : i32
            %dma_wait3A_231 = arith.constant 0 : i32
            %dma_wait3A_232 = tpu.memref_slice %arg3[%add3A_230, %dma_wait3A_231] : memref<16384x2048xf32, #tpu.memory_space<hbm>> -> memref<8x2048xf32, #tpu.memory_space<hbm>>
            %dma_wait3A_233 = arith.constant 0 : i32
            %dma_wait3A_234 = tpu.memref_slice %arg3[%add3A_230, %dma_wait3A_233] : memref<16384x2048xf32, #tpu.memory_space<hbm>> -> memref<8x2048xf32, #tpu.memory_space<hbm>>
            tpu.wait_dma2 semaphore(%arg21 : memref<!tpu.dma_semaphore, #tpu.memory_space<semaphore_mem>>) src(%arg9 : memref<8x2048xf32, #tpu.memory_space<vmem>>) dst(%dma_wait3A_234 : memref<8x2048xf32, #tpu.memory_space<hbm>>)
          } else {
          }
          %add3A_216 = arith.constant 4 : i32
          %add3A_217 = arith.addi %scan3A_67, %add3A_216 : i32
          %mul3A_218 = arith.constant 8 : i32
          %mul3A_219 = arith.muli %add3A_217, %mul3A_218 : i32
          %add3A_220 = arith.addi %mul3A_2, %mul3A_219 : i32
          %dma_start3A_221 = arith.constant 0 : i32
          %dma_start3A_222 = tpu.memref_slice %arg2[%add3A_220, %dma_start3A_221] : memref<16384x2048xf32, #tpu.memory_space<hbm>> -> memref<8x2048xf32, #tpu.memory_space<hbm>>
          %dma_start3A_223 = arith.constant 0 : i32
          %dma_start3A_224 = tpu.memref_slice %arg2[%add3A_220, %dma_start3A_223] : memref<16384x2048xf32, #tpu.memory_space<hbm>> -> memref<8x2048xf32, #tpu.memory_space<hbm>>
          tpu.enqueue_dma source(%dma_start3A_224 : memref<8x2048xf32, #tpu.memory_space<hbm>>) target(%arg9 : memref<8x2048xf32, #tpu.memory_space<vmem>>) target_semaphore(%arg15 : memref<!tpu.dma_semaphore, #tpu.memory_space<semaphore_mem>>)
        } else {
        }
      } else {
      }
      %jit3A_101 = arith.constant 6 : i32
      %eq3A_102 = arith.constant 0 : i32
      %eq3A_103 = arith.cmpi eq, %jit3A_101, %eq3A_102 : i32
      %jit3A_104 = arith.constant 1 : i32
      %select_n3A_105 = arith.select %eq3A_103, %jit3A_104, %jit3A_101 : i32
      %rem3A_106 = arith.remsi %scan3A_67, %select_n3A_105 : i32
      %ne3A_107 = arith.constant 0 : i32
      %ne3A_108 = arith.cmpi ne, %rem3A_106, %ne3A_107 : i32
      %lt3A_109 = arith.constant 0 : i32
      %lt3A_110 = arith.cmpi slt, %rem3A_106, %lt3A_109 : i32
      %lt3A_111 = arith.constant 0 : i32
      %lt3A_112 = arith.cmpi slt, %select_n3A_105, %lt3A_111 : i32
      %ne3A_113 = arith.xori %lt3A_110, %lt3A_112 : i1
      %and3A_114 = arith.andi %ne3A_113, %ne3A_108 : i1
      %add3A_115 = arith.addi %rem3A_106, %select_n3A_105 : i32
      %select_n3A_116 = arith.select %and3A_114, %add3A_115, %rem3A_106 : i32
      %eq3A_117 = arith.constant 2 : i32
      %eq3A_118 = arith.cmpi eq, %select_n3A_116, %eq3A_117 : i32
      %convert_element_type3A_119 = arith.extui %eq3A_118 : i1 to i32
      %cond3A_120 = arith.constant 0 : i32
      %cond3A_121 = arith.cmpi ne, %convert_element_type3A_119, %cond3A_120 : i32
      scf.if %cond3A_121 {
        %mul3A_185 = arith.constant 8 : i32
        %mul3A_186 = arith.muli %scan3A_67, %mul3A_185 : i32
        %add3A_187 = arith.addi %mul3A_2, %mul3A_186 : i32
        %dma_wait3A_188 = arith.constant 0 : i32
        %dma_wait3A_189 = tpu.memref_slice %arg2[%add3A_187, %dma_wait3A_188] : memref<16384x2048xf32, #tpu.memory_space<hbm>> -> memref<8x2048xf32, #tpu.memory_space<hbm>>
        %dma_wait3A_190 = arith.constant 0 : i32
        %dma_wait3A_191 = tpu.memref_slice %arg2[%add3A_187, %dma_wait3A_190] : memref<16384x2048xf32, #tpu.memory_space<hbm>> -> memref<8x2048xf32, #tpu.memory_space<hbm>>
        tpu.wait_dma2 semaphore(%arg12 : memref<!tpu.dma_semaphore, #tpu.memory_space<semaphore_mem>>) src(%dma_wait3A_191 : memref<8x2048xf32, #tpu.memory_space<hbm>>) dst(%arg6 : memref<8x2048xf32, #tpu.memory_space<vmem>>)
        %scan3A_192 = arith.constant 0 : i32
        %scan3A_193 = arith.constant 0 : i32
        %scan3A_194 = arith.constant 32 : i32
        %scan3A_195 = arith.addi %scan3A_193, %scan3A_194 : i32
        %scan3A_196 = arith.constant 1 : i32
        scf.for %scan3A_212 = %scan3A_193 to %scan3A_195 step %scan3A_196  : i32 {
          %mul3A_213 = arith.constant 4 : i32
          %mul3A_214 = arith.muli %mul3A_213, %scan3A_212 : i32
          %add3A_215 = arith.constant 0 : i32
          %add3A_216 = arith.addi %mul3A_214, %add3A_215 : i32
          %mul3A_217 = arith.constant 16 : i32
          %mul3A_218 = arith.muli %add3A_216, %mul3A_217 : i32
          %swap3A = arith.constant 0 : i32
          %swap3A_219 = arith.index_cast %swap3A : i32 to index
          %swap3A_220 = arith.index_cast %mul3A_218 : i32 to index
          %swap3A_221 = tpu.vector_load %arg6[%swap3A_219, %swap3A_220] {strides = array<i32>} : memref<8x2048xf32, #tpu.memory_space<vmem>>, vector<1x16xf32>,
          %swap3A_222 = vector.shape_cast %swap3A_221 : vector<1x16xf32> to vector<16xf32>
          %swap3A_223 = vector.shape_cast %broadcast_in_dim3A_3 : vector<16xf32> to vector<1x16xf32>
          tpu.vector_store %arg6[%swap3A_219, %swap3A_220], %swap3A_223 {strides = array<i32>} : memref<8x2048xf32, #tpu.memory_space<vmem>>, vector<1x16xf32>,
          %mul3A_224 = arith.constant 4 : i32
          %mul3A_225 = arith.muli %mul3A_224, %scan3A_212 : i32
          %add3A_226 = arith.constant 1 : i32
          %add3A_227 = arith.addi %mul3A_225, %add3A_226 : i32
          %mul3A_228 = arith.constant 16 : i32
          %mul3A_229 = arith.muli %add3A_227, %mul3A_228 : i32
          %swap3A_230 = arith.constant 0 : i32
          %swap3A_231 = arith.index_cast %swap3A_230 : i32 to index
          %swap3A_232 = arith.index_cast %mul3A_229 : i32 to index
          %swap3A_233 = tpu.vector_load %arg6[%swap3A_231, %swap3A_232] {strides = array<i32>} : memref<8x2048xf32, #tpu.memory_space<vmem>>, vector<1x16xf32>,
          %swap3A_234 = vector.shape_cast %swap3A_233 : vector<1x16xf32> to vector<16xf32>
          %swap3A_235 = vector.shape_cast %broadcast_in_dim3A_3 : vector<16xf32> to vector<1x16xf32>
          tpu.vector_store %arg6[%swap3A_231, %swap3A_232], %swap3A_235 {strides = array<i32>} : memref<8x2048xf32, #tpu.memory_space<vmem>>, vector<1x16xf32>,
          %mul3A_236 = arith.constant 4 : i32
          %mul3A_237 = arith.muli %mul3A_236, %scan3A_212 : i32
          %add3A_238 = arith.constant 2 : i32
          %add3A_239 = arith.addi %mul3A_237, %add3A_238 : i32
          %mul3A_240 = arith.constant 16 : i32
          %mul3A_241 = arith.muli %add3A_239, %mul3A_240 : i32
          %swap3A_242 = arith.constant 0 : i32
          %swap3A_243 = arith.index_cast %swap3A_242 : i32 to index
          %swap3A_244 = arith.index_cast %mul3A_241 : i32 to index
          %swap3A_245 = tpu.vector_load %arg6[%swap3A_243, %swap3A_244] {strides = array<i32>} : memref<8x2048xf32, #tpu.memory_space<vmem>>, vector<1x16xf32>,
          %swap3A_246 = vector.shape_cast %swap3A_245 : vector<1x16xf32> to vector<16xf32>
          %swap3A_247 = vector.shape_cast %broadcast_in_dim3A_3 : vector<16xf32> to vector<1x16xf32>
          tpu.vector_store %arg6[%swap3A_243, %swap3A_244], %swap3A_247 {strides = array<i32>} : memref<8x2048xf32, #tpu.memory_space<vmem>>, vector<1x16xf32>,
          %mul3A_248 = arith.constant 4 : i32
          %mul3A_249 = arith.muli %mul3A_248, %scan3A_212 : i32
          %add3A_250 = arith.constant 3 : i32
          %add3A_251 = arith.addi %mul3A_249, %add3A_250 : i32
          %mul3A_252 = arith.constant 16 : i32
          %mul3A_253 = arith.muli %add3A_251, %mul3A_252 : i32
          %swap3A_254 = arith.constant 0 : i32
          %swap3A_255 = arith.index_cast %swap3A_254 : i32 to index
          %swap3A_256 = arith.index_cast %mul3A_253 : i32 to index
          %swap3A_257 = tpu.vector_load %arg6[%swap3A_255, %swap3A_256] {strides = array<i32>} : memref<8x2048xf32, #tpu.memory_space<vmem>>, vector<1x16xf32>,
          %swap3A_258 = vector.shape_cast %swap3A_257 : vector<1x16xf32> to vector<16xf32>
          %swap3A_259 = vector.shape_cast %broadcast_in_dim3A_3 : vector<16xf32> to vector<1x16xf32>
          tpu.vector_store %arg6[%swap3A_255, %swap3A_256], %swap3A_259 {strides = array<i32>} : memref<8x2048xf32, #tpu.memory_space<vmem>>, vector<1x16xf32>,
          %mul3A_260 = arith.constant 4 : i32
          %mul3A_261 = arith.muli %mul3A_260, %scan3A_212 : i32
          %add3A_262 = arith.constant 0 : i32
          %add3A_263 = arith.addi %mul3A_261, %add3A_262 : i32
          %mul3A_264 = arith.constant 16 : i32
          %mul3A_265 = arith.muli %add3A_263, %mul3A_264 : i32
          %swap3A_266 = arith.constant 4 : i32
          %swap3A_267 = arith.index_cast %swap3A_266 : i32 to index
          %swap3A_268 = arith.index_cast %mul3A_265 : i32 to index
          %swap3A_269 = tpu.vector_load %arg6[%swap3A_267, %swap3A_268] {strides = array<i32>} : memref<8x2048xf32, #tpu.memory_space<vmem>>, vector<1x16xf32>,
          %swap3A_270 = vector.shape_cast %swap3A_269 : vector<1x16xf32> to vector<16xf32>
          %swap3A_271 = vector.shape_cast %broadcast_in_dim3A_3 : vector<16xf32> to vector<1x16xf32>
          tpu.vector_store %arg6[%swap3A_267, %swap3A_268], %swap3A_271 {strides = array<i32>} : memref<8x2048xf32, #tpu.memory_space<vmem>>, vector<1x16xf32>,
          %mul3A_272 = arith.constant 4 : i32
          %mul3A_273 = arith.muli %mul3A_272, %scan3A_212 : i32
          %add3A_274 = arith.constant 1 : i32
          %add3A_275 = arith.addi %mul3A_273, %add3A_274 : i32
          %mul3A_276 = arith.constant 16 : i32
          %mul3A_277 = arith.muli %add3A_275, %mul3A_276 : i32
          %swap3A_278 = arith.constant 4 : i32
          %swap3A_279 = arith.index_cast %swap3A_278 : i32 to index
          %swap3A_280 = arith.index_cast %mul3A_277 : i32 to index
          %swap3A_281 = tpu.vector_load %arg6[%swap3A_279, %swap3A_280] {strides = array<i32>} : memref<8x2048xf32, #tpu.memory_space<vmem>>, vector<1x16xf32>,
          %swap3A_282 = vector.shape_cast %swap3A_281 : vector<1x16xf32> to vector<16xf32>
          %swap3A_283 = vector.shape_cast %broadcast_in_dim3A_3 : vector<16xf32> to vector<1x16xf32>
          tpu.vector_store %arg6[%swap3A_279, %swap3A_280], %swap3A_283 {strides = array<i32>} : memref<8x2048xf32, #tpu.memory_space<vmem>>, vector<1x16xf32>,
          %mul3A_284 = arith.constant 4 : i32
          %mul3A_285 = arith.muli %mul3A_284, %scan3A_212 : i32
          %add3A_286 = arith.constant 2 : i32
          %add3A_287 = arith.addi %mul3A_285, %add3A_286 : i32
          %mul3A_288 = arith.constant 16 : i32
          %mul3A_289 = arith.muli %add3A_287, %mul3A_288 : i32
          %swap3A_290 = arith.constant 4 : i32
          %swap3A_291 = arith.index_cast %swap3A_290 : i32 to index
          %swap3A_292 = arith.index_cast %mul3A_289 : i32 to index
          %swap3A_293 = tpu.vector_load %arg6[%swap3A_291, %swap3A_292] {strides = array<i32>} : memref<8x2048xf32, #tpu.memory_space<vmem>>, vector<1x16xf32>,
          %swap3A_294 = vector.shape_cast %swap3A_293 : vector<1x16xf32> to vector<16xf32>
          %swap3A_295 = vector.shape_cast %broadcast_in_dim3A_3 : vector<16xf32> to vector<1x16xf32>
          tpu.vector_store %arg6[%swap3A_291, %swap3A_292], %swap3A_295 {strides = array<i32>} : memref<8x2048xf32, #tpu.memory_space<vmem>>, vector<1x16xf32>,
          %mul3A_296 = arith.constant 4 : i32
          %mul3A_297 = arith.muli %mul3A_296, %scan3A_212 : i32
          %add3A_298 = arith.constant 3 : i32
          %add3A_299 = arith.addi %mul3A_297, %add3A_298 : i32
          %mul3A_300 = arith.constant 16 : i32
          %mul3A_301 = arith.muli %add3A_299, %mul3A_300 : i32
          %swap3A_302 = arith.constant 4 : i32
          %swap3A_303 = arith.index_cast %swap3A_302 : i32 to index
          %swap3A_304 = arith.index_cast %mul3A_301 : i32 to index
          %swap3A_305 = tpu.vector_load %arg6[%swap3A_303, %swap3A_304] {strides = array<i32>} : memref<8x2048xf32, #tpu.memory_space<vmem>>, vector<1x16xf32>,
          %swap3A_306 = vector.shape_cast %swap3A_305 : vector<1x16xf32> to vector<16xf32>
          %swap3A_307 = vector.shape_cast %broadcast_in_dim3A_3 : vector<16xf32> to vector<1x16xf32>
          tpu.vector_store %arg6[%swap3A_303, %swap3A_304], %swap3A_307 {strides = array<i32>} : memref<8x2048xf32, #tpu.memory_space<vmem>>, vector<1x16xf32>,
        }
        %scan3A_197 = arith.constant 32 : i32
        %mul3A_198 = arith.constant 8 : i32
        %mul3A_199 = arith.muli %scan3A_67, %mul3A_198 : i32
        %add3A_200 = arith.addi %mul3A_2, %mul3A_199 : i32
        %dma_start3A_201 = arith.constant 0 : i32
        %dma_start3A_202 = tpu.memref_slice %arg3[%add3A_200, %dma_start3A_201] : memref<16384x2048xf32, #tpu.memory_space<hbm>> -> memref<8x2048xf32, #tpu.memory_space<hbm>>
        %dma_start3A_203 = arith.constant 0 : i32
        %dma_start3A_204 = tpu.memref_slice %arg3[%add3A_200, %dma_start3A_203] : memref<16384x2048xf32, #tpu.memory_space<hbm>> -> memref<8x2048xf32, #tpu.memory_space<hbm>>
        tpu.enqueue_dma source(%arg6 : memref<8x2048xf32, #tpu.memory_space<vmem>>) target(%dma_start3A_204 : memref<8x2048xf32, #tpu.memory_space<hbm>>) target_semaphore(%arg18 : memref<!tpu.dma_semaphore, #tpu.memory_space<semaphore_mem>>)
        %add3A_205 = arith.constant 4 : i32
        %add3A_206 = arith.addi %scan3A_67, %add3A_205 : i32
        %lt3A_207 = arith.constant 64 : i32
        %lt3A_208 = arith.cmpi slt, %add3A_206, %lt3A_207 : i32
        %convert_element_type3A_209 = arith.extui %lt3A_208 : i1 to i32
        %cond3A_210 = arith.constant 0 : i32
        %cond3A_211 = arith.cmpi ne, %convert_element_type3A_209, %cond3A_210 : i32
        scf.if %cond3A_211 {
          %ge3A = arith.constant 2 : i32
          %ge3A_212 = arith.cmpi sge, %scan3A_67, %ge3A : i32
          %convert_element_type3A_213 = arith.extui %ge3A_212 : i1 to i32
          %cond3A_214 = arith.constant 0 : i32
          %cond3A_215 = arith.cmpi ne, %convert_element_type3A_213, %cond3A_214 : i32
          scf.if %cond3A_215 {
            %add3A_225 = arith.constant 4 : i32
            %add3A_226 = arith.addi %scan3A_67, %add3A_225 : i32
            %sub3A = arith.constant 6 : i32
            %sub3A_227 = arith.subi %add3A_226, %sub3A : i32
            %mul3A_228 = arith.constant 8 : i32
            %mul3A_229 = arith.muli %sub3A_227, %mul3A_228 : i32
            %add3A_230 = arith.addi %mul3A_2, %mul3A_229 : i32
            %dma_wait3A_231 = arith.constant 0 : i32
            %dma_wait3A_232 = tpu.memref_slice %arg3[%add3A_230, %dma_wait3A_231] : memref<16384x2048xf32, #tpu.memory_space<hbm>> -> memref<8x2048xf32, #tpu.memory_space<hbm>>
            %dma_wait3A_233 = arith.constant 0 : i32
            %dma_wait3A_234 = tpu.memref_slice %arg3[%add3A_230, %dma_wait3A_233] : memref<16384x2048xf32, #tpu.memory_space<hbm>> -> memref<8x2048xf32, #tpu.memory_space<hbm>>
            tpu.wait_dma2 semaphore(%arg16 : memref<!tpu.dma_semaphore, #tpu.memory_space<semaphore_mem>>) src(%arg4 : memref<8x2048xf32, #tpu.memory_space<vmem>>) dst(%dma_wait3A_234 : memref<8x2048xf32, #tpu.memory_space<hbm>>)
          } else {
          }
          %add3A_216 = arith.constant 4 : i32
          %add3A_217 = arith.addi %scan3A_67, %add3A_216 : i32
          %mul3A_218 = arith.constant 8 : i32
          %mul3A_219 = arith.muli %add3A_217, %mul3A_218 : i32
          %add3A_220 = arith.addi %mul3A_2, %mul3A_219 : i32
          %dma_start3A_221 = arith.constant 0 : i32
          %dma_start3A_222 = tpu.memref_slice %arg2[%add3A_220, %dma_start3A_221] : memref<16384x2048xf32, #tpu.memory_space<hbm>> -> memref<8x2048xf32, #tpu.memory_space<hbm>>
          %dma_start3A_223 = arith.constant 0 : i32
          %dma_start3A_224 = tpu.memref_slice %arg2[%add3A_220, %dma_start3A_223] : memref<16384x2048xf32, #tpu.memory_space<hbm>> -> memref<8x2048xf32, #tpu.memory_space<hbm>>
          tpu.enqueue_dma source(%dma_start3A_224 : memref<8x2048xf32, #tpu.memory_space<hbm>>) target(%arg4 : memref<8x2048xf32, #tpu.memory_space<vmem>>) target_semaphore(%arg10 : memref<!tpu.dma_semaphore, #tpu.memory_space<semaphore_mem>>)
        } else {
        }
      } else {
      }
      %jit3A_122 = arith.constant 6 : i32
      %eq3A_123 = arith.constant 0 : i32
      %eq3A_124 = arith.cmpi eq, %jit3A_122, %eq3A_123 : i32
      %jit3A_125 = arith.constant 1 : i32
      %select_n3A_126 = arith.select %eq3A_124, %jit3A_125, %jit3A_122 : i32
      %rem3A_127 = arith.remsi %scan3A_67, %select_n3A_126 : i32
      %ne3A_128 = arith.constant 0 : i32
      %ne3A_129 = arith.cmpi ne, %rem3A_127, %ne3A_128 : i32
      %lt3A_130 = arith.constant 0 : i32
      %lt3A_131 = arith.cmpi slt, %rem3A_127, %lt3A_130 : i32
      %lt3A_132 = arith.constant 0 : i32
      %lt3A_133 = arith.cmpi slt, %select_n3A_126, %lt3A_132 : i32
      %ne3A_134 = arith.xori %lt3A_131, %lt3A_133 : i1
      %and3A_135 = arith.andi %ne3A_134, %ne3A_129 : i1
      %add3A_136 = arith.addi %rem3A_127, %select_n3A_126 : i32
      %select_n3A_137 = arith.select %and3A_135, %add3A_136, %rem3A_127 : i32
      %eq3A_138 = arith.constant 3 : i32
      %eq3A_139 = arith.cmpi eq, %select_n3A_137, %eq3A_138 : i32
      %convert_element_type3A_140 = arith.extui %eq3A_139 : i1 to i32
      %cond3A_141 = arith.constant 0 : i32
      %cond3A_142 = arith.cmpi ne, %convert_element_type3A_140, %cond3A_141 : i32
      scf.if %cond3A_142 {
        %mul3A_185 = arith.constant 8 : i32
        %mul3A_186 = arith.muli %scan3A_67, %mul3A_185 : i32
        %add3A_187 = arith.addi %mul3A_2, %mul3A_186 : i32
        %dma_wait3A_188 = arith.constant 0 : i32
        %dma_wait3A_189 = tpu.memref_slice %arg2[%add3A_187, %dma_wait3A_188] : memref<16384x2048xf32, #tpu.memory_space<hbm>> -> memref<8x2048xf32, #tpu.memory_space<hbm>>
        %dma_wait3A_190 = arith.constant 0 : i32
        %dma_wait3A_191 = tpu.memref_slice %arg2[%add3A_187, %dma_wait3A_190] : memref<16384x2048xf32, #tpu.memory_space<hbm>> -> memref<8x2048xf32, #tpu.memory_space<hbm>>
        tpu.wait_dma2 semaphore(%arg13 : memref<!tpu.dma_semaphore, #tpu.memory_space<semaphore_mem>>) src(%dma_wait3A_191 : memref<8x2048xf32, #tpu.memory_space<hbm>>) dst(%arg7 : memref<8x2048xf32, #tpu.memory_space<vmem>>)
        %scan3A_192 = arith.constant 0 : i32
        %scan3A_193 = arith.constant 0 : i32
        %scan3A_194 = arith.constant 32 : i32
        %scan3A_195 = arith.addi %scan3A_193, %scan3A_194 : i32
        %scan3A_196 = arith.constant 1 : i32
        scf.for %scan3A_212 = %scan3A_193 to %scan3A_195 step %scan3A_196  : i32 {
          %mul3A_213 = arith.constant 4 : i32
          %mul3A_214 = arith.muli %mul3A_213, %scan3A_212 : i32
          %add3A_215 = arith.constant 0 : i32
          %add3A_216 = arith.addi %mul3A_214, %add3A_215 : i32
          %mul3A_217 = arith.constant 16 : i32
          %mul3A_218 = arith.muli %add3A_216, %mul3A_217 : i32
          %swap3A = arith.constant 0 : i32
          %swap3A_219 = arith.index_cast %swap3A : i32 to index
          %swap3A_220 = arith.index_cast %mul3A_218 : i32 to index
          %swap3A_221 = tpu.vector_load %arg7[%swap3A_219, %swap3A_220] {strides = array<i32>} : memref<8x2048xf32, #tpu.memory_space<vmem>>, vector<1x16xf32>,
          %swap3A_222 = vector.shape_cast %swap3A_221 : vector<1x16xf32> to vector<16xf32>
          %swap3A_223 = vector.shape_cast %broadcast_in_dim3A_3 : vector<16xf32> to vector<1x16xf32>
          tpu.vector_store %arg7[%swap3A_219, %swap3A_220], %swap3A_223 {strides = array<i32>} : memref<8x2048xf32, #tpu.memory_space<vmem>>, vector<1x16xf32>,
          %mul3A_224 = arith.constant 4 : i32
          %mul3A_225 = arith.muli %mul3A_224, %scan3A_212 : i32
          %add3A_226 = arith.constant 1 : i32
          %add3A_227 = arith.addi %mul3A_225, %add3A_226 : i32
          %mul3A_228 = arith.constant 16 : i32
          %mul3A_229 = arith.muli %add3A_227, %mul3A_228 : i32
          %swap3A_230 = arith.constant 0 : i32
          %swap3A_231 = arith.index_cast %swap3A_230 : i32 to index
          %swap3A_232 = arith.index_cast %mul3A_229 : i32 to index
          %swap3A_233 = tpu.vector_load %arg7[%swap3A_231, %swap3A_232] {strides = array<i32>} : memref<8x2048xf32, #tpu.memory_space<vmem>>, vector<1x16xf32>,
          %swap3A_234 = vector.shape_cast %swap3A_233 : vector<1x16xf32> to vector<16xf32>
          %swap3A_235 = vector.shape_cast %broadcast_in_dim3A_3 : vector<16xf32> to vector<1x16xf32>
          tpu.vector_store %arg7[%swap3A_231, %swap3A_232], %swap3A_235 {strides = array<i32>} : memref<8x2048xf32, #tpu.memory_space<vmem>>, vector<1x16xf32>,
          %mul3A_236 = arith.constant 4 : i32
          %mul3A_237 = arith.muli %mul3A_236, %scan3A_212 : i32
          %add3A_238 = arith.constant 2 : i32
          %add3A_239 = arith.addi %mul3A_237, %add3A_238 : i32
          %mul3A_240 = arith.constant 16 : i32
          %mul3A_241 = arith.muli %add3A_239, %mul3A_240 : i32
          %swap3A_242 = arith.constant 0 : i32
          %swap3A_243 = arith.index_cast %swap3A_242 : i32 to index
          %swap3A_244 = arith.index_cast %mul3A_241 : i32 to index
          %swap3A_245 = tpu.vector_load %arg7[%swap3A_243, %swap3A_244] {strides = array<i32>} : memref<8x2048xf32, #tpu.memory_space<vmem>>, vector<1x16xf32>,
          %swap3A_246 = vector.shape_cast %swap3A_245 : vector<1x16xf32> to vector<16xf32>
          %swap3A_247 = vector.shape_cast %broadcast_in_dim3A_3 : vector<16xf32> to vector<1x16xf32>
          tpu.vector_store %arg7[%swap3A_243, %swap3A_244], %swap3A_247 {strides = array<i32>} : memref<8x2048xf32, #tpu.memory_space<vmem>>, vector<1x16xf32>,
          %mul3A_248 = arith.constant 4 : i32
          %mul3A_249 = arith.muli %mul3A_248, %scan3A_212 : i32
          %add3A_250 = arith.constant 3 : i32
          %add3A_251 = arith.addi %mul3A_249, %add3A_250 : i32
          %mul3A_252 = arith.constant 16 : i32
          %mul3A_253 = arith.muli %add3A_251, %mul3A_252 : i32
          %swap3A_254 = arith.constant 0 : i32
          %swap3A_255 = arith.index_cast %swap3A_254 : i32 to index
          %swap3A_256 = arith.index_cast %mul3A_253 : i32 to index
          %swap3A_257 = tpu.vector_load %arg7[%swap3A_255, %swap3A_256] {strides = array<i32>} : memref<8x2048xf32, #tpu.memory_space<vmem>>, vector<1x16xf32>,
          %swap3A_258 = vector.shape_cast %swap3A_257 : vector<1x16xf32> to vector<16xf32>
          %swap3A_259 = vector.shape_cast %broadcast_in_dim3A_3 : vector<16xf32> to vector<1x16xf32>
          tpu.vector_store %arg7[%swap3A_255, %swap3A_256], %swap3A_259 {strides = array<i32>} : memref<8x2048xf32, #tpu.memory_space<vmem>>, vector<1x16xf32>,
          %mul3A_260 = arith.constant 4 : i32
          %mul3A_261 = arith.muli %mul3A_260, %scan3A_212 : i32
          %add3A_262 = arith.constant 0 : i32
          %add3A_263 = arith.addi %mul3A_261, %add3A_262 : i32
          %mul3A_264 = arith.constant 16 : i32
          %mul3A_265 = arith.muli %add3A_263, %mul3A_264 : i32
          %swap3A_266 = arith.constant 4 : i32
          %swap3A_267 = arith.index_cast %swap3A_266 : i32 to index
          %swap3A_268 = arith.index_cast %mul3A_265 : i32 to index
          %swap3A_269 = tpu.vector_load %arg7[%swap3A_267, %swap3A_268] {strides = array<i32>} : memref<8x2048xf32, #tpu.memory_space<vmem>>, vector<1x16xf32>,
          %swap3A_270 = vector.shape_cast %swap3A_269 : vector<1x16xf32> to vector<16xf32>
          %swap3A_271 = vector.shape_cast %broadcast_in_dim3A_3 : vector<16xf32> to vector<1x16xf32>
          tpu.vector_store %arg7[%swap3A_267, %swap3A_268], %swap3A_271 {strides = array<i32>} : memref<8x2048xf32, #tpu.memory_space<vmem>>, vector<1x16xf32>,
          %mul3A_272 = arith.constant 4 : i32
          %mul3A_273 = arith.muli %mul3A_272, %scan3A_212 : i32
          %add3A_274 = arith.constant 1 : i32
          %add3A_275 = arith.addi %mul3A_273, %add3A_274 : i32
          %mul3A_276 = arith.constant 16 : i32
          %mul3A_277 = arith.muli %add3A_275, %mul3A_276 : i32
          %swap3A_278 = arith.constant 4 : i32
          %swap3A_279 = arith.index_cast %swap3A_278 : i32 to index
          %swap3A_280 = arith.index_cast %mul3A_277 : i32 to index
          %swap3A_281 = tpu.vector_load %arg7[%swap3A_279, %swap3A_280] {strides = array<i32>} : memref<8x2048xf32, #tpu.memory_space<vmem>>, vector<1x16xf32>,
          %swap3A_282 = vector.shape_cast %swap3A_281 : vector<1x16xf32> to vector<16xf32>
          %swap3A_283 = vector.shape_cast %broadcast_in_dim3A_3 : vector<16xf32> to vector<1x16xf32>
          tpu.vector_store %arg7[%swap3A_279, %swap3A_280], %swap3A_283 {strides = array<i32>} : memref<8x2048xf32, #tpu.memory_space<vmem>>, vector<1x16xf32>,
          %mul3A_284 = arith.constant 4 : i32
          %mul3A_285 = arith.muli %mul3A_284, %scan3A_212 : i32
          %add3A_286 = arith.constant 2 : i32
          %add3A_287 = arith.addi %mul3A_285, %add3A_286 : i32
          %mul3A_288 = arith.constant 16 : i32
          %mul3A_289 = arith.muli %add3A_287, %mul3A_288 : i32
          %swap3A_290 = arith.constant 4 : i32
          %swap3A_291 = arith.index_cast %swap3A_290 : i32 to index
          %swap3A_292 = arith.index_cast %mul3A_289 : i32 to index
          %swap3A_293 = tpu.vector_load %arg7[%swap3A_291, %swap3A_292] {strides = array<i32>} : memref<8x2048xf32, #tpu.memory_space<vmem>>, vector<1x16xf32>,
          %swap3A_294 = vector.shape_cast %swap3A_293 : vector<1x16xf32> to vector<16xf32>
          %swap3A_295 = vector.shape_cast %broadcast_in_dim3A_3 : vector<16xf32> to vector<1x16xf32>
          tpu.vector_store %arg7[%swap3A_291, %swap3A_292], %swap3A_295 {strides = array<i32>} : memref<8x2048xf32, #tpu.memory_space<vmem>>, vector<1x16xf32>,
          %mul3A_296 = arith.constant 4 : i32
          %mul3A_297 = arith.muli %mul3A_296, %scan3A_212 : i32
          %add3A_298 = arith.constant 3 : i32
          %add3A_299 = arith.addi %mul3A_297, %add3A_298 : i32
          %mul3A_300 = arith.constant 16 : i32
          %mul3A_301 = arith.muli %add3A_299, %mul3A_300 : i32
          %swap3A_302 = arith.constant 4 : i32
          %swap3A_303 = arith.index_cast %swap3A_302 : i32 to index
          %swap3A_304 = arith.index_cast %mul3A_301 : i32 to index
          %swap3A_305 = tpu.vector_load %arg7[%swap3A_303, %swap3A_304] {strides = array<i32>} : memref<8x2048xf32, #tpu.memory_space<vmem>>, vector<1x16xf32>,
          %swap3A_306 = vector.shape_cast %swap3A_305 : vector<1x16xf32> to vector<16xf32>
          %swap3A_307 = vector.shape_cast %broadcast_in_dim3A_3 : vector<16xf32> to vector<1x16xf32>
          tpu.vector_store %arg7[%swap3A_303, %swap3A_304], %swap3A_307 {strides = array<i32>} : memref<8x2048xf32, #tpu.memory_space<vmem>>, vector<1x16xf32>,
        }
        %scan3A_197 = arith.constant 32 : i32
        %mul3A_198 = arith.constant 8 : i32
        %mul3A_199 = arith.muli %scan3A_67, %mul3A_198 : i32
        %add3A_200 = arith.addi %mul3A_2, %mul3A_199 : i32
        %dma_start3A_201 = arith.constant 0 : i32
        %dma_start3A_202 = tpu.memref_slice %arg3[%add3A_200, %dma_start3A_201] : memref<16384x2048xf32, #tpu.memory_space<hbm>> -> memref<8x2048xf32, #tpu.memory_space<hbm>>
        %dma_start3A_203 = arith.constant 0 : i32
        %dma_start3A_204 = tpu.memref_slice %arg3[%add3A_200, %dma_start3A_203] : memref<16384x2048xf32, #tpu.memory_space<hbm>> -> memref<8x2048xf32, #tpu.memory_space<hbm>>
        tpu.enqueue_dma source(%arg7 : memref<8x2048xf32, #tpu.memory_space<vmem>>) target(%dma_start3A_204 : memref<8x2048xf32, #tpu.memory_space<hbm>>) target_semaphore(%arg19 : memref<!tpu.dma_semaphore, #tpu.memory_space<semaphore_mem>>)
        %add3A_205 = arith.constant 4 : i32
        %add3A_206 = arith.addi %scan3A_67, %add3A_205 : i32
        %lt3A_207 = arith.constant 64 : i32
        %lt3A_208 = arith.cmpi slt, %add3A_206, %lt3A_207 : i32
        %convert_element_type3A_209 = arith.extui %lt3A_208 : i1 to i32
        %cond3A_210 = arith.constant 0 : i32
        %cond3A_211 = arith.cmpi ne, %convert_element_type3A_209, %cond3A_210 : i32
        scf.if %cond3A_211 {
          %ge3A = arith.constant 2 : i32
          %ge3A_212 = arith.cmpi sge, %scan3A_67, %ge3A : i32
          %convert_element_type3A_213 = arith.extui %ge3A_212 : i1 to i32
          %cond3A_214 = arith.constant 0 : i32
          %cond3A_215 = arith.cmpi ne, %convert_element_type3A_213, %cond3A_214 : i32
          scf.if %cond3A_215 {
            %add3A_225 = arith.constant 4 : i32
            %add3A_226 = arith.addi %scan3A_67, %add3A_225 : i32
            %sub3A = arith.constant 6 : i32
            %sub3A_227 = arith.subi %add3A_226, %sub3A : i32
            %mul3A_228 = arith.constant 8 : i32
            %mul3A_229 = arith.muli %sub3A_227, %mul3A_228 : i32
            %add3A_230 = arith.addi %mul3A_2, %mul3A_229 : i32
            %dma_wait3A_231 = arith.constant 0 : i32
            %dma_wait3A_232 = tpu.memref_slice %arg3[%add3A_230, %dma_wait3A_231] : memref<16384x2048xf32, #tpu.memory_space<hbm>> -> memref<8x2048xf32, #tpu.memory_space<hbm>>
            %dma_wait3A_233 = arith.constant 0 : i32
            %dma_wait3A_234 = tpu.memref_slice %arg3[%add3A_230, %dma_wait3A_233] : memref<16384x2048xf32, #tpu.memory_space<hbm>> -> memref<8x2048xf32, #tpu.memory_space<hbm>>
            tpu.wait_dma2 semaphore(%arg17 : memref<!tpu.dma_semaphore, #tpu.memory_space<semaphore_mem>>) src(%arg5 : memref<8x2048xf32, #tpu.memory_space<vmem>>) dst(%dma_wait3A_234 : memref<8x2048xf32, #tpu.memory_space<hbm>>)
          } else {
          }
          %add3A_216 = arith.constant 4 : i32
          %add3A_217 = arith.addi %scan3A_67, %add3A_216 : i32
          %mul3A_218 = arith.constant 8 : i32
          %mul3A_219 = arith.muli %add3A_217, %mul3A_218 : i32
          %add3A_220 = arith.addi %mul3A_2, %mul3A_219 : i32
          %dma_start3A_221 = arith.constant 0 : i32
          %dma_start3A_222 = tpu.memref_slice %arg2[%add3A_220, %dma_start3A_221] : memref<16384x2048xf32, #tpu.memory_space<hbm>> -> memref<8x2048xf32, #tpu.memory_space<hbm>>
          %dma_start3A_223 = arith.constant 0 : i32
          %dma_start3A_224 = tpu.memref_slice %arg2[%add3A_220, %dma_start3A_223] : memref<16384x2048xf32, #tpu.memory_space<hbm>> -> memref<8x2048xf32, #tpu.memory_space<hbm>>
          tpu.enqueue_dma source(%dma_start3A_224 : memref<8x2048xf32, #tpu.memory_space<hbm>>) target(%arg5 : memref<8x2048xf32, #tpu.memory_space<vmem>>) target_semaphore(%arg11 : memref<!tpu.dma_semaphore, #tpu.memory_space<semaphore_mem>>)
        } else {
        }
      } else {
      }
      %jit3A_143 = arith.constant 6 : i32
      %eq3A_144 = arith.constant 0 : i32
      %eq3A_145 = arith.cmpi eq, %jit3A_143, %eq3A_144 : i32
      %jit3A_146 = arith.constant 1 : i32
      %select_n3A_147 = arith.select %eq3A_145, %jit3A_146, %jit3A_143 : i32
      %rem3A_148 = arith.remsi %scan3A_67, %select_n3A_147 : i32
      %ne3A_149 = arith.constant 0 : i32
      %ne3A_150 = arith.cmpi ne, %rem3A_148, %ne3A_149 : i32
      %lt3A_151 = arith.constant 0 : i32
      %lt3A_152 = arith.cmpi slt, %rem3A_148, %lt3A_151 : i32
      %lt3A_153 = arith.constant 0 : i32
      %lt3A_154 = arith.cmpi slt, %select_n3A_147, %lt3A_153 : i32
      %ne3A_155 = arith.xori %lt3A_152, %lt3A_154 : i1
      %and3A_156 = arith.andi %ne3A_155, %ne3A_150 : i1
      %add3A_157 = arith.addi %rem3A_148, %select_n3A_147 : i32
      %select_n3A_158 = arith.select %and3A_156, %add3A_157, %rem3A_148 : i32
      %eq3A_159 = arith.constant 4 : i32
      %eq3A_160 = arith.cmpi eq, %select_n3A_158, %eq3A_159 : i32
      %convert_element_type3A_161 = arith.extui %eq3A_160 : i1 to i32
      %cond3A_162 = arith.constant 0 : i32
      %cond3A_163 = arith.cmpi ne, %convert_element_type3A_161, %cond3A_162 : i32
      scf.if %cond3A_163 {
        %mul3A_185 = arith.constant 8 : i32
        %mul3A_186 = arith.muli %scan3A_67, %mul3A_185 : i32
        %add3A_187 = arith.addi %mul3A_2, %mul3A_186 : i32
        %dma_wait3A_188 = arith.constant 0 : i32
        %dma_wait3A_189 = tpu.memref_slice %arg2[%add3A_187, %dma_wait3A_188] : memref<16384x2048xf32, #tpu.memory_space<hbm>> -> memref<8x2048xf32, #tpu.memory_space<hbm>>
        %dma_wait3A_190 = arith.constant 0 : i32
        %dma_wait3A_191 = tpu.memref_slice %arg2[%add3A_187, %dma_wait3A_190] : memref<16384x2048xf32, #tpu.memory_space<hbm>> -> memref<8x2048xf32, #tpu.memory_space<hbm>>
        tpu.wait_dma2 semaphore(%arg14 : memref<!tpu.dma_semaphore, #tpu.memory_space<semaphore_mem>>) src(%dma_wait3A_191 : memref<8x2048xf32, #tpu.memory_space<hbm>>) dst(%arg8 : memref<8x2048xf32, #tpu.memory_space<vmem>>)
        %scan3A_192 = arith.constant 0 : i32
        %scan3A_193 = arith.constant 0 : i32
        %scan3A_194 = arith.constant 32 : i32
        %scan3A_195 = arith.addi %scan3A_193, %scan3A_194 : i32
        %scan3A_196 = arith.constant 1 : i32
        scf.for %scan3A_212 = %scan3A_193 to %scan3A_195 step %scan3A_196  : i32 {
          %mul3A_213 = arith.constant 4 : i32
          %mul3A_214 = arith.muli %mul3A_213, %scan3A_212 : i32
          %add3A_215 = arith.constant 0 : i32
          %add3A_216 = arith.addi %mul3A_214, %add3A_215 : i32
          %mul3A_217 = arith.constant 16 : i32
          %mul3A_218 = arith.muli %add3A_216, %mul3A_217 : i32
          %swap3A = arith.constant 0 : i32
          %swap3A_219 = arith.index_cast %swap3A : i32 to index
          %swap3A_220 = arith.index_cast %mul3A_218 : i32 to index
          %swap3A_221 = tpu.vector_load %arg8[%swap3A_219, %swap3A_220] {strides = array<i32>} : memref<8x2048xf32, #tpu.memory_space<vmem>>, vector<1x16xf32>,
          %swap3A_222 = vector.shape_cast %swap3A_221 : vector<1x16xf32> to vector<16xf32>
          %swap3A_223 = vector.shape_cast %broadcast_in_dim3A_3 : vector<16xf32> to vector<1x16xf32>
          tpu.vector_store %arg8[%swap3A_219, %swap3A_220], %swap3A_223 {strides = array<i32>} : memref<8x2048xf32, #tpu.memory_space<vmem>>, vector<1x16xf32>,
          %mul3A_224 = arith.constant 4 : i32
          %mul3A_225 = arith.muli %mul3A_224, %scan3A_212 : i32
          %add3A_226 = arith.constant 1 : i32
          %add3A_227 = arith.addi %mul3A_225, %add3A_226 : i32
          %mul3A_228 = arith.constant 16 : i32
          %mul3A_229 = arith.muli %add3A_227, %mul3A_228 : i32
          %swap3A_230 = arith.constant 0 : i32
          %swap3A_231 = arith.index_cast %swap3A_230 : i32 to index
          %swap3A_232 = arith.index_cast %mul3A_229 : i32 to index
          %swap3A_233 = tpu.vector_load %arg8[%swap3A_231, %swap3A_232] {strides = array<i32>} : memref<8x2048xf32, #tpu.memory_space<vmem>>, vector<1x16xf32>,
          %swap3A_234 = vector.shape_cast %swap3A_233 : vector<1x16xf32> to vector<16xf32>
          %swap3A_235 = vector.shape_cast %broadcast_in_dim3A_3 : vector<16xf32> to vector<1x16xf32>
          tpu.vector_store %arg8[%swap3A_231, %swap3A_232], %swap3A_235 {strides = array<i32>} : memref<8x2048xf32, #tpu.memory_space<vmem>>, vector<1x16xf32>,
          %mul3A_236 = arith.constant 4 : i32
          %mul3A_237 = arith.muli %mul3A_236, %scan3A_212 : i32
          %add3A_238 = arith.constant 2 : i32
          %add3A_239 = arith.addi %mul3A_237, %add3A_238 : i32
          %mul3A_240 = arith.constant 16 : i32
          %mul3A_241 = arith.muli %add3A_239, %mul3A_240 : i32
          %swap3A_242 = arith.constant 0 : i32
          %swap3A_243 = arith.index_cast %swap3A_242 : i32 to index
          %swap3A_244 = arith.index_cast %mul3A_241 : i32 to index
          %swap3A_245 = tpu.vector_load %arg8[%swap3A_243, %swap3A_244] {strides = array<i32>} : memref<8x2048xf32, #tpu.memory_space<vmem>>, vector<1x16xf32>,
          %swap3A_246 = vector.shape_cast %swap3A_245 : vector<1x16xf32> to vector<16xf32>
          %swap3A_247 = vector.shape_cast %broadcast_in_dim3A_3 : vector<16xf32> to vector<1x16xf32>
          tpu.vector_store %arg8[%swap3A_243, %swap3A_244], %swap3A_247 {strides = array<i32>} : memref<8x2048xf32, #tpu.memory_space<vmem>>, vector<1x16xf32>,
          %mul3A_248 = arith.constant 4 : i32
          %mul3A_249 = arith.muli %mul3A_248, %scan3A_212 : i32
          %add3A_250 = arith.constant 3 : i32
          %add3A_251 = arith.addi %mul3A_249, %add3A_250 : i32
          %mul3A_252 = arith.constant 16 : i32
          %mul3A_253 = arith.muli %add3A_251, %mul3A_252 : i32
          %swap3A_254 = arith.constant 0 : i32
          %swap3A_255 = arith.index_cast %swap3A_254 : i32 to index
          %swap3A_256 = arith.index_cast %mul3A_253 : i32 to index
          %swap3A_257 = tpu.vector_load %arg8[%swap3A_255, %swap3A_256] {strides = array<i32>} : memref<8x2048xf32, #tpu.memory_space<vmem>>, vector<1x16xf32>,
          %swap3A_258 = vector.shape_cast %swap3A_257 : vector<1x16xf32> to vector<16xf32>
          %swap3A_259 = vector.shape_cast %broadcast_in_dim3A_3 : vector<16xf32> to vector<1x16xf32>
          tpu.vector_store %arg8[%swap3A_255, %swap3A_256], %swap3A_259 {strides = array<i32>} : memref<8x2048xf32, #tpu.memory_space<vmem>>, vector<1x16xf32>,
          %mul3A_260 = arith.constant 4 : i32
          %mul3A_261 = arith.muli %mul3A_260, %scan3A_212 : i32
          %add3A_262 = arith.constant 0 : i32
          %add3A_263 = arith.addi %mul3A_261, %add3A_262 : i32
          %mul3A_264 = arith.constant 16 : i32
          %mul3A_265 = arith.muli %add3A_263, %mul3A_264 : i32
          %swap3A_266 = arith.constant 4 : i32
          %swap3A_267 = arith.index_cast %swap3A_266 : i32 to index
          %swap3A_268 = arith.index_cast %mul3A_265 : i32 to index
          %swap3A_269 = tpu.vector_load %arg8[%swap3A_267, %swap3A_268] {strides = array<i32>} : memref<8x2048xf32, #tpu.memory_space<vmem>>, vector<1x16xf32>,
          %swap3A_270 = vector.shape_cast %swap3A_269 : vector<1x16xf32> to vector<16xf32>
          %swap3A_271 = vector.shape_cast %broadcast_in_dim3A_3 : vector<16xf32> to vector<1x16xf32>
          tpu.vector_store %arg8[%swap3A_267, %swap3A_268], %swap3A_271 {strides = array<i32>} : memref<8x2048xf32, #tpu.memory_space<vmem>>, vector<1x16xf32>,
          %mul3A_272 = arith.constant 4 : i32
          %mul3A_273 = arith.muli %mul3A_272, %scan3A_212 : i32
          %add3A_274 = arith.constant 1 : i32
          %add3A_275 = arith.addi %mul3A_273, %add3A_274 : i32
          %mul3A_276 = arith.constant 16 : i32
          %mul3A_277 = arith.muli %add3A_275, %mul3A_276 : i32
          %swap3A_278 = arith.constant 4 : i32
          %swap3A_279 = arith.index_cast %swap3A_278 : i32 to index
          %swap3A_280 = arith.index_cast %mul3A_277 : i32 to index
          %swap3A_281 = tpu.vector_load %arg8[%swap3A_279, %swap3A_280] {strides = array<i32>} : memref<8x2048xf32, #tpu.memory_space<vmem>>, vector<1x16xf32>,
          %swap3A_282 = vector.shape_cast %swap3A_281 : vector<1x16xf32> to vector<16xf32>
          %swap3A_283 = vector.shape_cast %broadcast_in_dim3A_3 : vector<16xf32> to vector<1x16xf32>
          tpu.vector_store %arg8[%swap3A_279, %swap3A_280], %swap3A_283 {strides = array<i32>} : memref<8x2048xf32, #tpu.memory_space<vmem>>, vector<1x16xf32>,
          %mul3A_284 = arith.constant 4 : i32
          %mul3A_285 = arith.muli %mul3A_284, %scan3A_212 : i32
          %add3A_286 = arith.constant 2 : i32
          %add3A_287 = arith.addi %mul3A_285, %add3A_286 : i32
          %mul3A_288 = arith.constant 16 : i32
          %mul3A_289 = arith.muli %add3A_287, %mul3A_288 : i32
          %swap3A_290 = arith.constant 4 : i32
          %swap3A_291 = arith.index_cast %swap3A_290 : i32 to index
          %swap3A_292 = arith.index_cast %mul3A_289 : i32 to index
          %swap3A_293 = tpu.vector_load %arg8[%swap3A_291, %swap3A_292] {strides = array<i32>} : memref<8x2048xf32, #tpu.memory_space<vmem>>, vector<1x16xf32>,
          %swap3A_294 = vector.shape_cast %swap3A_293 : vector<1x16xf32> to vector<16xf32>
          %swap3A_295 = vector.shape_cast %broadcast_in_dim3A_3 : vector<16xf32> to vector<1x16xf32>
          tpu.vector_store %arg8[%swap3A_291, %swap3A_292], %swap3A_295 {strides = array<i32>} : memref<8x2048xf32, #tpu.memory_space<vmem>>, vector<1x16xf32>,
          %mul3A_296 = arith.constant 4 : i32
          %mul3A_297 = arith.muli %mul3A_296, %scan3A_212 : i32
          %add3A_298 = arith.constant 3 : i32
          %add3A_299 = arith.addi %mul3A_297, %add3A_298 : i32
          %mul3A_300 = arith.constant 16 : i32
          %mul3A_301 = arith.muli %add3A_299, %mul3A_300 : i32
          %swap3A_302 = arith.constant 4 : i32
          %swap3A_303 = arith.index_cast %swap3A_302 : i32 to index
          %swap3A_304 = arith.index_cast %mul3A_301 : i32 to index
          %swap3A_305 = tpu.vector_load %arg8[%swap3A_303, %swap3A_304] {strides = array<i32>} : memref<8x2048xf32, #tpu.memory_space<vmem>>, vector<1x16xf32>,
          %swap3A_306 = vector.shape_cast %swap3A_305 : vector<1x16xf32> to vector<16xf32>
          %swap3A_307 = vector.shape_cast %broadcast_in_dim3A_3 : vector<16xf32> to vector<1x16xf32>
          tpu.vector_store %arg8[%swap3A_303, %swap3A_304], %swap3A_307 {strides = array<i32>} : memref<8x2048xf32, #tpu.memory_space<vmem>>, vector<1x16xf32>,
        }
        %scan3A_197 = arith.constant 32 : i32
        %mul3A_198 = arith.constant 8 : i32
        %mul3A_199 = arith.muli %scan3A_67, %mul3A_198 : i32
        %add3A_200 = arith.addi %mul3A_2, %mul3A_199 : i32
        %dma_start3A_201 = arith.constant 0 : i32
        %dma_start3A_202 = tpu.memref_slice %arg3[%add3A_200, %dma_start3A_201] : memref<16384x2048xf32, #tpu.memory_space<hbm>> -> memref<8x2048xf32, #tpu.memory_space<hbm>>
        %dma_start3A_203 = arith.constant 0 : i32
        %dma_start3A_204 = tpu.memref_slice %arg3[%add3A_200, %dma_start3A_203] : memref<16384x2048xf32, #tpu.memory_space<hbm>> -> memref<8x2048xf32, #tpu.memory_space<hbm>>
        tpu.enqueue_dma source(%arg8 : memref<8x2048xf32, #tpu.memory_space<vmem>>) target(%dma_start3A_204 : memref<8x2048xf32, #tpu.memory_space<hbm>>) target_semaphore(%arg20 : memref<!tpu.dma_semaphore, #tpu.memory_space<semaphore_mem>>)
        %add3A_205 = arith.constant 4 : i32
        %add3A_206 = arith.addi %scan3A_67, %add3A_205 : i32
        %lt3A_207 = arith.constant 64 : i32
        %lt3A_208 = arith.cmpi slt, %add3A_206, %lt3A_207 : i32
        %convert_element_type3A_209 = arith.extui %lt3A_208 : i1 to i32
        %cond3A_210 = arith.constant 0 : i32
        %cond3A_211 = arith.cmpi ne, %convert_element_type3A_209, %cond3A_210 : i32
        scf.if %cond3A_211 {
          %ge3A = arith.constant 2 : i32
          %ge3A_212 = arith.cmpi sge, %scan3A_67, %ge3A : i32
          %convert_element_type3A_213 = arith.extui %ge3A_212 : i1 to i32
          %cond3A_214 = arith.constant 0 : i32
          %cond3A_215 = arith.cmpi ne, %convert_element_type3A_213, %cond3A_214 : i32
          scf.if %cond3A_215 {
            %add3A_225 = arith.constant 4 : i32
            %add3A_226 = arith.addi %scan3A_67, %add3A_225 : i32
            %sub3A = arith.constant 6 : i32
            %sub3A_227 = arith.subi %add3A_226, %sub3A : i32
            %mul3A_228 = arith.constant 8 : i32
            %mul3A_229 = arith.muli %sub3A_227, %mul3A_228 : i32
            %add3A_230 = arith.addi %mul3A_2, %mul3A_229 : i32
            %dma_wait3A_231 = arith.constant 0 : i32
            %dma_wait3A_232 = tpu.memref_slice %arg3[%add3A_230, %dma_wait3A_231] : memref<16384x2048xf32, #tpu.memory_space<hbm>> -> memref<8x2048xf32, #tpu.memory_space<hbm>>
            %dma_wait3A_233 = arith.constant 0 : i32
            %dma_wait3A_234 = tpu.memref_slice %arg3[%add3A_230, %dma_wait3A_233] : memref<16384x2048xf32, #tpu.memory_space<hbm>> -> memref<8x2048xf32, #tpu.memory_space<hbm>>
            tpu.wait_dma2 semaphore(%arg18 : memref<!tpu.dma_semaphore, #tpu.memory_space<semaphore_mem>>) src(%arg6 : memref<8x2048xf32, #tpu.memory_space<vmem>>) dst(%dma_wait3A_234 : memref<8x2048xf32, #tpu.memory_space<hbm>>)
          } else {
          }
          %add3A_216 = arith.constant 4 : i32
          %add3A_217 = arith.addi %scan3A_67, %add3A_216 : i32
          %mul3A_218 = arith.constant 8 : i32
          %mul3A_219 = arith.muli %add3A_217, %mul3A_218 : i32
          %add3A_220 = arith.addi %mul3A_2, %mul3A_219 : i32
          %dma_start3A_221 = arith.constant 0 : i32
          %dma_start3A_222 = tpu.memref_slice %arg2[%add3A_220, %dma_start3A_221] : memref<16384x2048xf32, #tpu.memory_space<hbm>> -> memref<8x2048xf32, #tpu.memory_space<hbm>>
          %dma_start3A_223 = arith.constant 0 : i32
          %dma_start3A_224 = tpu.memref_slice %arg2[%add3A_220, %dma_start3A_223] : memref<16384x2048xf32, #tpu.memory_space<hbm>> -> memref<8x2048xf32, #tpu.memory_space<hbm>>
          tpu.enqueue_dma source(%dma_start3A_224 : memref<8x2048xf32, #tpu.memory_space<hbm>>) target(%arg6 : memref<8x2048xf32, #tpu.memory_space<vmem>>) target_semaphore(%arg12 : memref<!tpu.dma_semaphore, #tpu.memory_space<semaphore_mem>>)
        } else {
        }
      } else {
      }
      %jit3A_164 = arith.constant 6 : i32
      %eq3A_165 = arith.constant 0 : i32
      %eq3A_166 = arith.cmpi eq, %jit3A_164, %eq3A_165 : i32
      %jit3A_167 = arith.constant 1 : i32
      %select_n3A_168 = arith.select %eq3A_166, %jit3A_167, %jit3A_164 : i32
      %rem3A_169 = arith.remsi %scan3A_67, %select_n3A_168 : i32
      %ne3A_170 = arith.constant 0 : i32
      %ne3A_171 = arith.cmpi ne, %rem3A_169, %ne3A_170 : i32
      %lt3A_172 = arith.constant 0 : i32
      %lt3A_173 = arith.cmpi slt, %rem3A_169, %lt3A_172 : i32
      %lt3A_174 = arith.constant 0 : i32
      %lt3A_175 = arith.cmpi slt, %select_n3A_168, %lt3A_174 : i32
      %ne3A_176 = arith.xori %lt3A_173, %lt3A_175 : i1
      %and3A_177 = arith.andi %ne3A_176, %ne3A_171 : i1
      %add3A_178 = arith.addi %rem3A_169, %select_n3A_168 : i32
      %select_n3A_179 = arith.select %and3A_177, %add3A_178, %rem3A_169 : i32
      %eq3A_180 = arith.constant 5 : i32
      %eq3A_181 = arith.cmpi eq, %select_n3A_179, %eq3A_180 : i32
      %convert_element_type3A_182 = arith.extui %eq3A_181 : i1 to i32
      %cond3A_183 = arith.constant 0 : i32
      %cond3A_184 = arith.cmpi ne, %convert_element_type3A_182, %cond3A_183 : i32
      scf.if %cond3A_184 {
        %mul3A_185 = arith.constant 8 : i32
        %mul3A_186 = arith.muli %scan3A_67, %mul3A_185 : i32
        %add3A_187 = arith.addi %mul3A_2, %mul3A_186 : i32
        %dma_wait3A_188 = arith.constant 0 : i32
        %dma_wait3A_189 = tpu.memref_slice %arg2[%add3A_187, %dma_wait3A_188] : memref<16384x2048xf32, #tpu.memory_space<hbm>> -> memref<8x2048xf32, #tpu.memory_space<hbm>>
        %dma_wait3A_190 = arith.constant 0 : i32
        %dma_wait3A_191 = tpu.memref_slice %arg2[%add3A_187, %dma_wait3A_190] : memref<16384x2048xf32, #tpu.memory_space<hbm>> -> memref<8x2048xf32, #tpu.memory_space<hbm>>
        tpu.wait_dma2 semaphore(%arg15 : memref<!tpu.dma_semaphore, #tpu.memory_space<semaphore_mem>>) src(%dma_wait3A_191 : memref<8x2048xf32, #tpu.memory_space<hbm>>) dst(%arg9 : memref<8x2048xf32, #tpu.memory_space<vmem>>)
        %scan3A_192 = arith.constant 0 : i32
        %scan3A_193 = arith.constant 0 : i32
        %scan3A_194 = arith.constant 32 : i32
        %scan3A_195 = arith.addi %scan3A_193, %scan3A_194 : i32
        %scan3A_196 = arith.constant 1 : i32
        scf.for %scan3A_212 = %scan3A_193 to %scan3A_195 step %scan3A_196  : i32 {
          %mul3A_213 = arith.constant 4 : i32
          %mul3A_214 = arith.muli %mul3A_213, %scan3A_212 : i32
          %add3A_215 = arith.constant 0 : i32
          %add3A_216 = arith.addi %mul3A_214, %add3A_215 : i32
          %mul3A_217 = arith.constant 16 : i32
          %mul3A_218 = arith.muli %add3A_216, %mul3A_217 : i32
          %swap3A = arith.constant 0 : i32
          %swap3A_219 = arith.index_cast %swap3A : i32 to index
          %swap3A_220 = arith.index_cast %mul3A_218 : i32 to index
          %swap3A_221 = tpu.vector_load %arg9[%swap3A_219, %swap3A_220] {strides = array<i32>} : memref<8x2048xf32, #tpu.memory_space<vmem>>, vector<1x16xf32>,
          %swap3A_222 = vector.shape_cast %swap3A_221 : vector<1x16xf32> to vector<16xf32>
          %swap3A_223 = vector.shape_cast %broadcast_in_dim3A_3 : vector<16xf32> to vector<1x16xf32>
          tpu.vector_store %arg9[%swap3A_219, %swap3A_220], %swap3A_223 {strides = array<i32>} : memref<8x2048xf32, #tpu.memory_space<vmem>>, vector<1x16xf32>,
          %mul3A_224 = arith.constant 4 : i32
          %mul3A_225 = arith.muli %mul3A_224, %scan3A_212 : i32
          %add3A_226 = arith.constant 1 : i32
          %add3A_227 = arith.addi %mul3A_225, %add3A_226 : i32
          %mul3A_228 = arith.constant 16 : i32
          %mul3A_229 = arith.muli %add3A_227, %mul3A_228 : i32
          %swap3A_230 = arith.constant 0 : i32
          %swap3A_231 = arith.index_cast %swap3A_230 : i32 to index
          %swap3A_232 = arith.index_cast %mul3A_229 : i32 to index
          %swap3A_233 = tpu.vector_load %arg9[%swap3A_231, %swap3A_232] {strides = array<i32>} : memref<8x2048xf32, #tpu.memory_space<vmem>>, vector<1x16xf32>,
          %swap3A_234 = vector.shape_cast %swap3A_233 : vector<1x16xf32> to vector<16xf32>
          %swap3A_235 = vector.shape_cast %broadcast_in_dim3A_3 : vector<16xf32> to vector<1x16xf32>
          tpu.vector_store %arg9[%swap3A_231, %swap3A_232], %swap3A_235 {strides = array<i32>} : memref<8x2048xf32, #tpu.memory_space<vmem>>, vector<1x16xf32>,
          %mul3A_236 = arith.constant 4 : i32
          %mul3A_237 = arith.muli %mul3A_236, %scan3A_212 : i32
          %add3A_238 = arith.constant 2 : i32
          %add3A_239 = arith.addi %mul3A_237, %add3A_238 : i32
          %mul3A_240 = arith.constant 16 : i32
          %mul3A_241 = arith.muli %add3A_239, %mul3A_240 : i32
          %swap3A_242 = arith.constant 0 : i32
          %swap3A_243 = arith.index_cast %swap3A_242 : i32 to index
          %swap3A_244 = arith.index_cast %mul3A_241 : i32 to index
          %swap3A_245 = tpu.vector_load %arg9[%swap3A_243, %swap3A_244] {strides = array<i32>} : memref<8x2048xf32, #tpu.memory_space<vmem>>, vector<1x16xf32>,
          %swap3A_246 = vector.shape_cast %swap3A_245 : vector<1x16xf32> to vector<16xf32>
          %swap3A_247 = vector.shape_cast %broadcast_in_dim3A_3 : vector<16xf32> to vector<1x16xf32>
          tpu.vector_store %arg9[%swap3A_243, %swap3A_244], %swap3A_247 {strides = array<i32>} : memref<8x2048xf32, #tpu.memory_space<vmem>>, vector<1x16xf32>,
          %mul3A_248 = arith.constant 4 : i32
          %mul3A_249 = arith.muli %mul3A_248, %scan3A_212 : i32
          %add3A_250 = arith.constant 3 : i32
          %add3A_251 = arith.addi %mul3A_249, %add3A_250 : i32
          %mul3A_252 = arith.constant 16 : i32
          %mul3A_253 = arith.muli %add3A_251, %mul3A_252 : i32
          %swap3A_254 = arith.constant 0 : i32
          %swap3A_255 = arith.index_cast %swap3A_254 : i32 to index
          %swap3A_256 = arith.index_cast %mul3A_253 : i32 to index
          %swap3A_257 = tpu.vector_load %arg9[%swap3A_255, %swap3A_256] {strides = array<i32>} : memref<8x2048xf32, #tpu.memory_space<vmem>>, vector<1x16xf32>,
          %swap3A_258 = vector.shape_cast %swap3A_257 : vector<1x16xf32> to vector<16xf32>
          %swap3A_259 = vector.shape_cast %broadcast_in_dim3A_3 : vector<16xf32> to vector<1x16xf32>
          tpu.vector_store %arg9[%swap3A_255, %swap3A_256], %swap3A_259 {strides = array<i32>} : memref<8x2048xf32, #tpu.memory_space<vmem>>, vector<1x16xf32>,
          %mul3A_260 = arith.constant 4 : i32
          %mul3A_261 = arith.muli %mul3A_260, %scan3A_212 : i32
          %add3A_262 = arith.constant 0 : i32
          %add3A_263 = arith.addi %mul3A_261, %add3A_262 : i32
          %mul3A_264 = arith.constant 16 : i32
          %mul3A_265 = arith.muli %add3A_263, %mul3A_264 : i32
          %swap3A_266 = arith.constant 4 : i32
          %swap3A_267 = arith.index_cast %swap3A_266 : i32 to index
          %swap3A_268 = arith.index_cast %mul3A_265 : i32 to index
          %swap3A_269 = tpu.vector_load %arg9[%swap3A_267, %swap3A_268] {strides = array<i32>} : memref<8x2048xf32, #tpu.memory_space<vmem>>, vector<1x16xf32>,
          %swap3A_270 = vector.shape_cast %swap3A_269 : vector<1x16xf32> to vector<16xf32>
          %swap3A_271 = vector.shape_cast %broadcast_in_dim3A_3 : vector<16xf32> to vector<1x16xf32>
          tpu.vector_store %arg9[%swap3A_267, %swap3A_268], %swap3A_271 {strides = array<i32>} : memref<8x2048xf32, #tpu.memory_space<vmem>>, vector<1x16xf32>,
          %mul3A_272 = arith.constant 4 : i32
          %mul3A_273 = arith.muli %mul3A_272, %scan3A_212 : i32
          %add3A_274 = arith.constant 1 : i32
          %add3A_275 = arith.addi %mul3A_273, %add3A_274 : i32
          %mul3A_276 = arith.constant 16 : i32
          %mul3A_277 = arith.muli %add3A_275, %mul3A_276 : i32
          %swap3A_278 = arith.constant 4 : i32
          %swap3A_279 = arith.index_cast %swap3A_278 : i32 to index
          %swap3A_280 = arith.index_cast %mul3A_277 : i32 to index
          %swap3A_281 = tpu.vector_load %arg9[%swap3A_279, %swap3A_280] {strides = array<i32>} : memref<8x2048xf32, #tpu.memory_space<vmem>>, vector<1x16xf32>,
          %swap3A_282 = vector.shape_cast %swap3A_281 : vector<1x16xf32> to vector<16xf32>
          %swap3A_283 = vector.shape_cast %broadcast_in_dim3A_3 : vector<16xf32> to vector<1x16xf32>
          tpu.vector_store %arg9[%swap3A_279, %swap3A_280], %swap3A_283 {strides = array<i32>} : memref<8x2048xf32, #tpu.memory_space<vmem>>, vector<1x16xf32>,
          %mul3A_284 = arith.constant 4 : i32
          %mul3A_285 = arith.muli %mul3A_284, %scan3A_212 : i32
          %add3A_286 = arith.constant 2 : i32
          %add3A_287 = arith.addi %mul3A_285, %add3A_286 : i32
          %mul3A_288 = arith.constant 16 : i32
          %mul3A_289 = arith.muli %add3A_287, %mul3A_288 : i32
          %swap3A_290 = arith.constant 4 : i32
          %swap3A_291 = arith.index_cast %swap3A_290 : i32 to index
          %swap3A_292 = arith.index_cast %mul3A_289 : i32 to index
          %swap3A_293 = tpu.vector_load %arg9[%swap3A_291, %swap3A_292] {strides = array<i32>} : memref<8x2048xf32, #tpu.memory_space<vmem>>, vector<1x16xf32>,
          %swap3A_294 = vector.shape_cast %swap3A_293 : vector<1x16xf32> to vector<16xf32>
          %swap3A_295 = vector.shape_cast %broadcast_in_dim3A_3 : vector<16xf32> to vector<1x16xf32>
          tpu.vector_store %arg9[%swap3A_291, %swap3A_292], %swap3A_295 {strides = array<i32>} : memref<8x2048xf32, #tpu.memory_space<vmem>>, vector<1x16xf32>,
          %mul3A_296 = arith.constant 4 : i32
          %mul3A_297 = arith.muli %mul3A_296, %scan3A_212 : i32
          %add3A_298 = arith.constant 3 : i32
          %add3A_299 = arith.addi %mul3A_297, %add3A_298 : i32
          %mul3A_300 = arith.constant 16 : i32
          %mul3A_301 = arith.muli %add3A_299, %mul3A_300 : i32
          %swap3A_302 = arith.constant 4 : i32
          %swap3A_303 = arith.index_cast %swap3A_302 : i32 to index
          %swap3A_304 = arith.index_cast %mul3A_301 : i32 to index
          %swap3A_305 = tpu.vector_load %arg9[%swap3A_303, %swap3A_304] {strides = array<i32>} : memref<8x2048xf32, #tpu.memory_space<vmem>>, vector<1x16xf32>,
          %swap3A_306 = vector.shape_cast %swap3A_305 : vector<1x16xf32> to vector<16xf32>
          %swap3A_307 = vector.shape_cast %broadcast_in_dim3A_3 : vector<16xf32> to vector<1x16xf32>
          tpu.vector_store %arg9[%swap3A_303, %swap3A_304], %swap3A_307 {strides = array<i32>} : memref<8x2048xf32, #tpu.memory_space<vmem>>, vector<1x16xf32>,
        }
        %scan3A_197 = arith.constant 32 : i32
        %mul3A_198 = arith.constant 8 : i32
        %mul3A_199 = arith.muli %scan3A_67, %mul3A_198 : i32
        %add3A_200 = arith.addi %mul3A_2, %mul3A_199 : i32
        %dma_start3A_201 = arith.constant 0 : i32
        %dma_start3A_202 = tpu.memref_slice %arg3[%add3A_200, %dma_start3A_201] : memref<16384x2048xf32, #tpu.memory_space<hbm>> -> memref<8x2048xf32, #tpu.memory_space<hbm>>
        %dma_start3A_203 = arith.constant 0 : i32
        %dma_start3A_204 = tpu.memref_slice %arg3[%add3A_200, %dma_start3A_203] : memref<16384x2048xf32, #tpu.memory_space<hbm>> -> memref<8x2048xf32, #tpu.memory_space<hbm>>
        tpu.enqueue_dma source(%arg9 : memref<8x2048xf32, #tpu.memory_space<vmem>>) target(%dma_start3A_204 : memref<8x2048xf32, #tpu.memory_space<hbm>>) target_semaphore(%arg21 : memref<!tpu.dma_semaphore, #tpu.memory_space<semaphore_mem>>)
        %add3A_205 = arith.constant 4 : i32
        %add3A_206 = arith.addi %scan3A_67, %add3A_205 : i32
        %lt3A_207 = arith.constant 64 : i32
        %lt3A_208 = arith.cmpi slt, %add3A_206, %lt3A_207 : i32
        %convert_element_type3A_209 = arith.extui %lt3A_208 : i1 to i32
        %cond3A_210 = arith.constant 0 : i32
        %cond3A_211 = arith.cmpi ne, %convert_element_type3A_209, %cond3A_210 : i32
        scf.if %cond3A_211 {
          %ge3A = arith.constant 2 : i32
          %ge3A_212 = arith.cmpi sge, %scan3A_67, %ge3A : i32
          %convert_element_type3A_213 = arith.extui %ge3A_212 : i1 to i32
          %cond3A_214 = arith.constant 0 : i32
          %cond3A_215 = arith.cmpi ne, %convert_element_type3A_213, %cond3A_214 : i32
          scf.if %cond3A_215 {
            %add3A_225 = arith.constant 4 : i32
            %add3A_226 = arith.addi %scan3A_67, %add3A_225 : i32
            %sub3A = arith.constant 6 : i32
            %sub3A_227 = arith.subi %add3A_226, %sub3A : i32
            %mul3A_228 = arith.constant 8 : i32
            %mul3A_229 = arith.muli %sub3A_227, %mul3A_228 : i32
            %add3A_230 = arith.addi %mul3A_2, %mul3A_229 : i32
            %dma_wait3A_231 = arith.constant 0 : i32
            %dma_wait3A_232 = tpu.memref_slice %arg3[%add3A_230, %dma_wait3A_231] : memref<16384x2048xf32, #tpu.memory_space<hbm>> -> memref<8x2048xf32, #tpu.memory_space<hbm>>
            %dma_wait3A_233 = arith.constant 0 : i32
            %dma_wait3A_234 = tpu.memref_slice %arg3[%add3A_230, %dma_wait3A_233] : memref<16384x2048xf32, #tpu.memory_space<hbm>> -> memref<8x2048xf32, #tpu.memory_space<hbm>>
            tpu.wait_dma2 semaphore(%arg19 : memref<!tpu.dma_semaphore, #tpu.memory_space<semaphore_mem>>) src(%arg7 : memref<8x2048xf32, #tpu.memory_space<vmem>>) dst(%dma_wait3A_234 : memref<8x2048xf32, #tpu.memory_space<hbm>>)
          } else {
          }
          %add3A_216 = arith.constant 4 : i32
          %add3A_217 = arith.addi %scan3A_67, %add3A_216 : i32
          %mul3A_218 = arith.constant 8 : i32
          %mul3A_219 = arith.muli %add3A_217, %mul3A_218 : i32
          %add3A_220 = arith.addi %mul3A_2, %mul3A_219 : i32
          %dma_start3A_221 = arith.constant 0 : i32
          %dma_start3A_222 = tpu.memref_slice %arg2[%add3A_220, %dma_start3A_221] : memref<16384x2048xf32, #tpu.memory_space<hbm>> -> memref<8x2048xf32, #tpu.memory_space<hbm>>
          %dma_start3A_223 = arith.constant 0 : i32
          %dma_start3A_224 = tpu.memref_slice %arg2[%add3A_220, %dma_start3A_223] : memref<16384x2048xf32, #tpu.memory_space<hbm>> -> memref<8x2048xf32, #tpu.memory_space<hbm>>
          tpu.enqueue_dma source(%dma_start3A_224 : memref<8x2048xf32, #tpu.memory_space<hbm>>) target(%arg7 : memref<8x2048xf32, #tpu.memory_space<vmem>>) target_semaphore(%arg13 : memref<!tpu.dma_semaphore, #tpu.memory_space<semaphore_mem>>)
        } else {
        }
      } else {
      }
    }
    %scan3A_31 = arith.constant 64 : i32
    %add3A_32 = arith.constant 464 : i32
    %add3A_33 = arith.addi %mul3A_2, %add3A_32 : i32
    %dma_wait3A = arith.constant 0 : i32
    %dma_wait3A_34 = tpu.memref_slice %arg3[%add3A_33, %dma_wait3A] : memref<16384x2048xf32, #tpu.memory_space<hbm>> -> memref<8x2048xf32, #tpu.memory_space<hbm>>
    %dma_wait3A_35 = arith.constant 0 : i32
    %dma_wait3A_36 = tpu.memref_slice %arg3[%add3A_33, %dma_wait3A_35] : memref<16384x2048xf32, #tpu.memory_space<hbm>> -> memref<8x2048xf32, #tpu.memory_space<hbm>>
    tpu.wait_dma2 semaphore(%arg20 : memref<!tpu.dma_semaphore, #tpu.memory_space<semaphore_mem>>) src(%arg8 : memref<8x2048xf32, #tpu.memory_space<vmem>>) dst(%dma_wait3A_36 : memref<8x2048xf32, #tpu.memory_space<hbm>>)
    %add3A_37 = arith.constant 472 : i32
    %add3A_38 = arith.addi %mul3A_2, %add3A_37 : i32
    %dma_wait3A_39 = arith.constant 0 : i32
    %dma_wait3A_40 = tpu.memref_slice %arg3[%add3A_38, %dma_wait3A_39] : memref<16384x2048xf32, #tpu.memory_space<hbm>> -> memref<8x2048xf32, #tpu.memory_space<hbm>>
    %dma_wait3A_41 = arith.constant 0 : i32
    %dma_wait3A_42 = tpu.memref_slice %arg3[%add3A_38, %dma_wait3A_41] : memref<16384x2048xf32, #tpu.memory_space<hbm>> -> memref<8x2048xf32, #tpu.memory_space<hbm>>
    tpu.wait_dma2 semaphore(%arg21 : memref<!tpu.dma_semaphore, #tpu.memory_space<semaphore_mem>>) src(%arg9 : memref<8x2048xf32, #tpu.memory_space<vmem>>) dst(%dma_wait3A_42 : memref<8x2048xf32, #tpu.memory_space<hbm>>)
    %add3A_43 = arith.constant 480 : i32
    %add3A_44 = arith.addi %mul3A_2, %add3A_43 : i32
    %dma_wait3A_45 = arith.constant 0 : i32
    %dma_wait3A_46 = tpu.memref_slice %arg3[%add3A_44, %dma_wait3A_45] : memref<16384x2048xf32, #tpu.memory_space<hbm>> -> memref<8x2048xf32, #tpu.memory_space<hbm>>
    %dma_wait3A_47 = arith.constant 0 : i32
    %dma_wait3A_48 = tpu.memref_slice %arg3[%add3A_44, %dma_wait3A_47] : memref<16384x2048xf32, #tpu.memory_space<hbm>> -> memref<8x2048xf32, #tpu.memory_space<hbm>>
    tpu.wait_dma2 semaphore(%arg16 : memref<!tpu.dma_semaphore, #tpu.memory_space<semaphore_mem>>) src(%arg4 : memref<8x2048xf32, #tpu.memory_space<vmem>>) dst(%dma_wait3A_48 : memref<8x2048xf32, #tpu.memory_space<hbm>>)
    %add3A_49 = arith.constant 488 : i32
    %add3A_50 = arith.addi %mul3A_2, %add3A_49 : i32
    %dma_wait3A_51 = arith.constant 0 : i32
    %dma_wait3A_52 = tpu.memref_slice %arg3[%add3A_50, %dma_wait3A_51] : memref<16384x2048xf32, #tpu.memory_space<hbm>> -> memref<8x2048xf32, #tpu.memory_space<hbm>>
    %dma_wait3A_53 = arith.constant 0 : i32
    %dma_wait3A_54 = tpu.memref_slice %arg3[%add3A_50, %dma_wait3A_53] : memref<16384x2048xf32, #tpu.memory_space<hbm>> -> memref<8x2048xf32, #tpu.memory_space<hbm>>
    tpu.wait_dma2 semaphore(%arg17 : memref<!tpu.dma_semaphore, #tpu.memory_space<semaphore_mem>>) src(%arg5 : memref<8x2048xf32, #tpu.memory_space<vmem>>) dst(%dma_wait3A_54 : memref<8x2048xf32, #tpu.memory_space<hbm>>)
    %add3A_55 = arith.constant 496 : i32
    %add3A_56 = arith.addi %mul3A_2, %add3A_55 : i32
    %dma_wait3A_57 = arith.constant 0 : i32
    %dma_wait3A_58 = tpu.memref_slice %arg3[%add3A_56, %dma_wait3A_57] : memref<16384x2048xf32, #tpu.memory_space<hbm>> -> memref<8x2048xf32, #tpu.memory_space<hbm>>
    %dma_wait3A_59 = arith.constant 0 : i32
    %dma_wait3A_60 = tpu.memref_slice %arg3[%add3A_56, %dma_wait3A_59] : memref<16384x2048xf32, #tpu.memory_space<hbm>> -> memref<8x2048xf32, #tpu.memory_space<hbm>>
    tpu.wait_dma2 semaphore(%arg18 : memref<!tpu.dma_semaphore, #tpu.memory_space<semaphore_mem>>) src(%arg6 : memref<8x2048xf32, #tpu.memory_space<vmem>>) dst(%dma_wait3A_60 : memref<8x2048xf32, #tpu.memory_space<hbm>>)
    %add3A_61 = arith.constant 504 : i32
    %add3A_62 = arith.addi %mul3A_2, %add3A_61 : i32
    %dma_wait3A_63 = arith.constant 0 : i32
    %dma_wait3A_64 = tpu.memref_slice %arg3[%add3A_62, %dma_wait3A_63] : memref<16384x2048xf32, #tpu.memory_space<hbm>> -> memref<8x2048xf32, #tpu.memory_space<hbm>>
    %dma_wait3A_65 = arith.constant 0 : i32
    %dma_wait3A_66 = tpu.memref_slice %arg3[%add3A_62, %dma_wait3A_65] : memref<16384x2048xf32, #tpu.memory_space<hbm>> -> memref<8x2048xf32, #tpu.memory_space<hbm>>
    tpu.wait_dma2 semaphore(%arg19 : memref<!tpu.dma_semaphore, #tpu.memory_space<semaphore_mem>>) src(%arg7 : memref<8x2048xf32, #tpu.memory_space<vmem>>) dst(%dma_wait3A_66 : memref<8x2048xf32, #tpu.memory_space<hbm>>)
    return
  }
}

</mosaic_0001>

<sc_bundles>
// kernel: kernel.3.cloned.1.call-start
scs
__scs_entry_jumppad:
0x0: {  	(pc) =	sbr.rel $0x88, $3  }
0x1: {  	(tag) =	ssettag $0x0;
	lr =	simm.s32 $0x1  }
0x2: {  	[smem:$0x3FA0] =	sst lr;
	_ =	strace $0xD0000000  }
0x3: {  	_ = 	snop  }
0x4: {  	_ = 	snop  }
0x5: {  	_ = 	snop  }
0x6: {  	_ = 	snop  }
0x7: {  	_ = 	snop  }
__scs_overlays_trampoline_lowered:
0x8: {  	[smem:$0x3FAF] =	sst s0  }
0x9: {  	[smem:$0x3FB0] =	sst s1  }
0xa: {  	[smem:$0x3FB1] =	sst s2  }
0xb: {  	[smem:$0x3FB2] =	sst s3  }
0xc: {  	[smem:$0x3FB3] =	sst s4  }
0xd: {  	[smem:$0x3FB4] =	sst s5  }
0xe: {  	[smem:$0x3FB5] =	sst s6  }
0xf: {  	[smem:$0x3FB6] =	sst s7  }
0x10: {  	[smem:$0x3FB7] =	sst s8  }
0x11: {  	[smem:$0x3FB8] =	sst s9;
	s0 =	simm.s32 @!p0 $0x0  }
0x12: {  	s1 =	sld [smem:$0x3F9E];
	s0 =	simm.s32 @p0 $0x1  }
0x13: {  	[smem:$0x3FB9] =	sst s0;
	s0 =	simm.s32 @!p1 $0x0  }
0x14: {  	s2 =	sld [smem:$0x3F9D];
	s0 =	simm.s32 @p1 $0x1  }
0x15: {  	[smem:$0x3FBA] =	sst s0;
	s0 =	simm.s32 @!p2 $0x0  }
0x16: {  	s3 =	sld [smem:$0x3FDB];
	s0 =	simm.s32 @p2 $0x1  }
0x17: {  	s4 =	simm.s32 $0x1BF5;
	[smem:$0x3FBC] =	sst s0  }
0x18: {  	s0 =	sld [smem:$0x3F9F];
	_ =	swait.ge [sflag:s4], $0x0  }
0x19: {  	s7 =	sld [smem:$0x3FA0]  }
0x1a: {  	s8 =	sadd.s32 $0xFFFFE003, lr  }
0x1b: {  	s9 =	sadd.s32 $0xFFFFFEF7, lr;
	s5 =	simm.s32 $0xFFFFFFFF;
	p2 =	slt.u32 s8, $0xFFFFF086  }
0x1c: {  	p1 =	slt.u32 s9, $0xF7A;
	s5 =	simm.s32 @!p2 $0x0  }
0x1d: {  	s5 =	simm.s32 @p1 $0x1;
	p0 =	seq.s32 s7, s2  }
0x1e: {  	s7 =	smul.u32 @!p0 $0xF7A, s2;
	p2 =	seq.s32 @!p0 s5, $0x0  }
0x1f: {  	s9 =	smul.u32 $0xF7A, s1;
	s8 =	simm.s32 @!p0 $0x1BF5;
	p2 =	por !p2, p0  }
0x20: {  	[sflag:s8] =	ssyncset.s32 @!p0 $0xFFFFF086;
	s6 =	sadd.s32 @!p0 s3, s7;
	s7 =	simm.s32 @!p0 $0x108  }
0x21: {  	s3 =	sadd.s32 s3, s9;
	s6 =	sadd.s32 @!p0 $0x88, s6;
	s7 =	simm.s32 @p2 $0x1082  }
0x22: {  	[simem:s7], [sflag:s8] =	dma.local @!p0 [hbm:s6], $0xF7A  }
0x23: {  	s9 =	sor.u32 $0xD0000000, s2;
	s6 =	simm.s32 $0x108;
	_ =	swait.ge @!p0 [sflag:s8], $0x0  }
0x24: {  	s3 =	sadd.s32 $0x88, s3;
	s6 =	simm.s32 @!p1 $0x1082;
	[sflag:s4] =	ssyncset.s32 $0xFFFFF086  }
0x25: {  	[simem:s6], [sflag:s4] =	dma.local [hbm:s3], $0xF7A  }
0x26: {  	[smem:$0x3FA0] =	sst s1;
	(tag) =	ssettag s2;
	_ =	strace s9  }
0x27: {  	s1 =	sld [smem:$0x3FB0]  }
0x28: {  	s2 =	sld [smem:$0x3FB1]  }
0x29: {  	s4 =	sld [smem:$0x3FB3]  }
0x2a: {  	p0 =	seq.s32 s5, $0x0;
	s5 =	sld [smem:$0x3FB4]  }
0x2b: {  	s6 =	sld [smem:$0x3FB5]  }
0x2c: {  	s7 =	sld [smem:$0x3FB6]  }
0x2d: {  	s3 =	simm.s32 $0x108;
	s8 =	sld [smem:$0x3FB7]  }
0x2e: {  	s3 =	simm.s32 @!p0 $0x1082;
	s9 =	sld [smem:$0x3FB8]  }
0x2f: {  	lr =	sadd.s32 s0, s3;
	s0 =	sld [smem:$0x3FAF]  }
0x30: {  	s3 =	sld [smem:$0x3FB2]  }
0x31: {  	[smem:$0x3FBB] =	sst s10  }
0x32: {  	s10 =	sld [smem:$0x3FB9];
	_ =	sdelay $0x3  }
0x33: {  	p0 =	seq.s32 s10, $0x1;
	s10 =	sld [smem:$0x3FBB];
	_ =	sdelay $0x3  }
0x34: {  	[smem:$0x3FBB] =	sst s10  }
0x35: {  	s10 =	sld [smem:$0x3FBA];
	_ =	sdelay $0x3  }
0x36: {  	p1 =	seq.s32 s10, $0x1;
	s10 =	sld [smem:$0x3FBB];
	_ =	sdelay $0x3  }
0x37: {  	[smem:$0x3FBB] =	sst s10  }
0x38: {  	s10 =	sld [smem:$0x3FBC]  }
0x39: {  	_ = 	snop;
	(pc) =	sbr.ind lr, $3  }
0x3a: {  	_ = 	snop  }
0x3b: {  	_ = 	snop  }
0x3c: {  	p2 =	seq.s32 s10, $0x1;
	s10 =	sld [smem:$0x3FBB]  }
0x3d: {  	_ =	shalt  }
0x3e: {  	_ =	shalt  }
0x3f: {  	_ =	shalt  }
0x40: {  	_ =	shalt  }
0x41: {  	_ =	shalt  }
0x42: {  	_ =	shalt  }
0x43: {  	_ =	shalt  }
0x44: {  	_ =	shalt  }
0x45: {  	_ =	shalt  }
0x46: {  	_ =	shalt  }
0x47: {  	_ =	shalt  }
0x48: {  	_ =	shalt  }
0x49: {  	_ =	shalt  }
0x4a: {  	_ =	shalt  }
0x4b: {  	_ =	shalt  }
0x4c: {  	_ =	shalt  }
0x4d: {  	_ =	shalt  }
0x4e: {  	_ =	shalt  }
0x4f: {  	_ =	shalt  }
0x50: {  	_ =	shalt  }
0x51: {  	_ =	shalt  }
0x52: {  	_ =	shalt  }
0x53: {  	_ =	shalt  }
0x54: {  	_ =	shalt  }
0x55: {  	_ =	shalt  }
0x56: {  	_ =	shalt  }
0x57: {  	_ =	shalt  }
0x58: {  	_ =	shalt  }
0x59: {  	_ =	shalt  }
0x5a: {  	_ =	shalt  }
0x5b: {  	_ =	shalt  }
0x5c: {  	_ =	shalt  }
0x5d: {  	_ =	shalt  }
0x5e: {  	_ =	shalt  }
0x5f: {  	_ =	shalt  }
0x60: {  	_ =	shalt  }
0x61: {  	_ =	shalt  }
0x62: {  	_ =	shalt  }
0x63: {  	_ =	shalt  }
0x64: {  	_ =	shalt  }
0x65: {  	_ =	shalt  }
0x66: {  	_ =	shalt  }
0x67: {  	_ =	shalt  }
0x68: {  	_ =	shalt  }
0x69: {  	_ =	shalt  }
0x6a: {  	_ =	shalt  }
0x6b: {  	_ =	shalt  }
0x6c: {  	_ =	shalt  }
0x6d: {  	_ =	shalt  }
0x6e: {  	_ =	shalt  }
0x6f: {  	_ =	shalt  }
0x70: {  	_ =	shalt  }
0x71: {  	_ =	shalt  }
0x72: {  	_ =	shalt  }
0x73: {  	_ =	shalt  }
0x74: {  	_ =	shalt  }
0x75: {  	_ =	shalt  }
0x76: {  	_ =	shalt  }
0x77: {  	_ =	shalt  }
0x78: {  	_ =	shalt  }
0x79: {  	_ =	shalt  }
0x7a: {  	_ =	shalt  }
0x7b: {  	_ =	shalt  }
0x7c: {  	_ =	shalt  }
0x7d: {  	_ =	shalt  }
0x7e: {  	_ =	shalt  }
0x7f: {  	_ =	shalt  }
0x80: {  	_ =	shalt  }
0x81: {  	_ =	shalt  }
0x82: {  	_ =	shalt  }
0x83: {  	_ =	shalt  }
0x84: {  	_ =	shalt  }
0x85: {  	_ =	shalt  }
0x86: {  	_ =	shalt  }
0x87: {  	_ =	shalt  }
.Lfunc_end0:
.L_simem_size_0:
called_computation_lowered:
.L_overlay_start_0:
0x88: {  	s2 =	sld [smem:$0x3FD9]  }
0x89: {  	s3 =	sld [smem:$0x3FFE];
	_ =	sdelay $0x1  }
0x8a: {  	s1 =	srdreg.scid  }
0x8b: {  	s0 =	sand.u32 $0x1, s1  }
0x8c: {  	s18 =	sshll.u32 s0, $0xA;
	s2 =	sadd.s32 s3, s2  }
0x8d: {  	s2 =	sadd.s32 s2, s18  }
0x8e: {  	[smem:$0x3FC7] =	sst s2  }
0x8f: {  	_ = 	snop  }
0x90: {  	s2 =	sld [smem:$0x3FC9]  }
0x91: {  	s19 =	sld [smem:$0x3FD0];
	(tm) =	ssettm $0x1  }
0x92: {  	s4 =	sld [smem:$0x3FFB];
	_ =	sdelay $0x3  }
0x93: {  	_ =	strace s4  }
0x94: {  	s4 =	sld [smem:$0x3FFC];
	_ =	sdelay $0x3  }
0x95: {  	_ =	strace s4  }
0x96: {  	s4 =	sld [smem:$0x3FFD];
	_ =	sdelay $0x3  }
0x97: {  	_ =	strace s4  }
0x98: {  	_ =	strace $0x8FFFFFFF  }
0x99: {  	s20 =	sld [smem:$0x3FDB];
	_ =	sdelay $0x1  }
0x9a: {  	s5 =	simm.s32 $_scs_section_size  }
0x9b: {  	s6 =	simm.s32 $_size__tile_overlayer_lowered;
	s7 =	simm.s32 $_tile_overlayer_lowered  }
0x9c: {  	s23 =	simm.s32 $0x1BFF;
	s22 =	sshll.u32 s7, $0x1;
	s4 =	sadd.s32 s5, s20  }
0x9d: {  	s8 =	simm.s32 $0x0;
	s21 =	sshll.u32 s6, $0x1;
	s6 =	sadd.s32 s22, s4  }
0x9e: {  	[timem:s8], [sflag:s23] =	dma.local [hbm:s6], s21  }
0x9f: {  	_ =	swait.ge [sflag:s23], s21  }
0xa0: {  	s5 =	ssub.s32 $0x0, s21;
	[sflag:s23] =	ssyncset.done $0x0  }
0xa1: {  	[sflag:s23] =	ssyncadd.s32 s5;
	_ =	sdelay $0x1  }
0xa2: {  	s24 =	simm.s32 $0x1B8B  }
0xa3: {  	_ =	swait.ge [sflag:s24], $0x1  }
0xa4: {  	[sflag:s24] =	ssyncset.done $0x0  }
0xa5: {  	s25 =	simm.s32 $0x1B8E;
	[sflag:s24] =	ssyncadd.s32 $0xFFFFFFFF  }
0xa6: {  	s26 =	simm.s32 $execute0_lowered;
	[smem:$0x3FD2] =	sst s25  }
0xa7: {  	s5 =	sshll.u32 s26, $0x1;
	_ =	strace $0x80000046;
	[dreg:$0x1] =	wrdreg $0xFFFFFFFF  }
0xa8: {  	s28 =	simm.s32 $_size_execute0_lowered;
	s4 =	sadd.s32 s4, s5;
	[dreg:$0x0] =	wrdreg $0x0  }
0xa9: {  	s5 =	sshll.u32 s28, $0x1;
	[dreg:$0x2] =	wrdreg s4  }
0xaa: {  	[dreg:$0x3] =	wrdreg s5  }
0xab: {  	[dreg:$0x4] =	wrdreg $0xC0  }
0xac: {  	_ =	task [dreg:s8], $0x5FFFF  }
0xad: {  	[dreg:$0x1] =	wrdreg $0xFFFFFFFF  }
0xae: {  	[dreg:$0x0] =	wrdreg $0x60  }
0xaf: {  	[dreg:$0x2] =	wrdreg s2  }
0xb0: {  	[dreg:$0x3] =	wrdreg s19  }
0xb1: {  	[dreg:$0x4] =	wrdreg $0x9  }
0xb2: {  	_ =	task.clear_ibuf [dreg:s8], $0x5FFFF;
	_ =	strace $0x90000046  }
0xb3: {  	s29 =	simm.s32 $0x9;
	_ =	strace $0x80000048  }
0xb4: {  	_ =	swait.ge [sflag:s29], $0x1  }
0xb5: {  	[sflag:s29] =	ssyncadd.s32 $0xFFFFFFFF  }
0xb6: {  	_ =	strace $0x90000048  }
0xb7: {  	_ =	sfence  }
0xb8: {  	s30 =	sld [smem:$0x0];
	_ =	sdelay $0x2  }
0xb9: {  	s31 =	sshll.u32 s1, $0xD;
	s1 =	sshrl.u32 s1, $0x2  }
0xba: {  	s3 =	sand.u32 $0x4000, s31;
	s1 =	sadd.s32 s1, s30  }
0xbb: {  	s0 =	sor.u32 s3, s0;
	s1 =	sshll.u32 s1, $0x11  }
0xbc: {  	s0 =	sor.u32 s1, s0  }
0xbd: {  	s0 =	sadd.s32 $0x8F2B, s0  }
0xbe: {  	[sflag:s0] =	ssyncadd.remote.s32 $0x1  }
0xbf: {  	_ =	sfence.sel $0xFFFF  }
0xc0: {  	[dreg:$0x0] =	wrdreg $0xFFFFFFFF;
	(pc) =	sbr.abs _section_cstart, $3  }
0xc1: {  	[dreg:$0x1] =	wrdreg $0xFFFFFFFF  }
0xc2: {  	_ =	task.clear_ibuf [dreg:s8], $0x2FFFF;
	_ =	strace $0x9FFFFFFF  }
0xc3: {  	(tm) =	ssettm $0x7FFFFFFF  }
tec
execute0_lowered:
.L_overlay_start_1:
0x0: {  	(tag) =	ssettag $0x1  }
0x1: {  	s2 =	rddreg [dreg:$0x0]  }
0x2: {  	s0 =	srdreg.scid;
	s3 =	rddreg [dreg:$0x1]  }
0x3: {  	s4 =	stileid.u32;
	s12 =	simm.s32 $0x4000;
	s13 =	simm.s32 $0x8000  }
0x4: {  	s14 =	simm.s32 $0xC000;
	s15 =	simm.s32 $0x1;
	s16 =	simm.s32 $0x2  }
0x5: {  	s17 =	simm.s32 $0x3;
	s18 =	simm.s32 $0xB;
	s19 =	simm.s32 $0xC  }
0x6: {  	s20 =	simm.s32 $0x7;
	s21 =	simm.s32 $0x8;
	s22 =	simm.s32 $0x9  }
0x7: {  	s23 =	simm.s32 $0xA;
	s24 =	simm.s32 $0x4;
	s28 =	simm.s32 $0x6  }
0x8: {  	s29 =	simm.s32 $0x14000;
	s30 =	simm.s32 $0x0;
	s0 =	sand.u32 $0x1, s0  }
0x9: {  	s5 =	sshll.u32 s4, $0x9;
	s1 =	sshll.u32 s0, $0xD;
	s0 =	ssub.s32 $0x2, s0  }
0xa: {  	s4 =	simm.s32 $0x0;
	s1 =	sor.u32 s5, s1;
	s25 =	sshrl.u32 s0, $0x1  }
0xb: {  	[smem:$0x7FF] =	sst s4;
	s6 =	sshll.u32 s1, $0x8;
	s0 =	ssub.s32 s0, s25  }
.Ltmp0:
0xc: {  	s5 =	sadd.s32 s2, s6;
	s0 =	smax.u32 s0, $0x1;
	(pc) =	sbr.rel .LBB2_1-.Ltmp0, $4  }
0xd: {  	_ =	strace $0x80000047;
	s6 =	sadd.s32 $0x800, s5;
	[dreg:$0x6] =	wrdreg s0  }
0xe: {  	s8 =	sshrl.u32 s1, $0x3;
	s26 =	sadd.s32 $0x1000, s5;
	[dreg:$0x3] =	wrdreg s6  }
0xf: {  	s25 =	simm.s32 $0x5;
	s31 =	sadd.s32 $0x1800, s5;
	[dreg:$0x4] =	wrdreg s26  }
0x10: {  	v0 =	vimm.f32 $0.0e+00;
	s10 =	sor.u32 $0x4, s8;
	[dreg:$0x5] =	wrdreg s31;
	s26 =	simm.s32 $0x10000  }
.LBB2_26:
0x11: {  	_ =	swait.ge [sflag:s18], $0x4000  }
0x12: {  	[sflag:s18] =	ssyncset.done $0x0  }
0x13: {  	[sflag:s18] =	ssyncadd.s32 $0xFFFFC000  }
0x14: {  	_ =	swait.ge [sflag:s19], $0x4000  }
0x15: {  	[sflag:s19] =	ssyncset.done $0x0  }
0x16: {  	[sflag:s19] =	ssyncadd.s32 $0xFFFFC000  }
0x17: {  	_ =	swait.ge [sflag:s20], $0x4000  }
0x18: {  	[sflag:s20] =	ssyncset.done $0x0  }
0x19: {  	[sflag:s20] =	ssyncadd.s32 $0xFFFFC000  }
0x1a: {  	_ =	swait.ge [sflag:s21], $0x4000  }
0x1b: {  	[sflag:s21] =	ssyncset.done $0x0  }
0x1c: {  	[sflag:s21] =	ssyncadd.s32 $0xFFFFC000  }
0x1d: {  	_ =	swait.ge [sflag:s22], $0x4000  }
0x1e: {  	[sflag:s22] =	ssyncset.done $0x0  }
0x1f: {  	[sflag:s22] =	ssyncadd.s32 $0xFFFFC000  }
0x20: {  	_ =	swait.ge [sflag:s23], $0x4000  }
0x21: {  	s30 =	sadd.s32 $0x1, s30;
	s0 =	rddreg [dreg:$0x6]  }
0x22: {  	p0 =	sne.s32 s30, s0  }
.Ltmp1:
0x23: {  	_ = 	snop;
	(pc) =	sbr.rel @!p0 .LBB2_27-.Ltmp1, $3  }
0x24: {  	_ =	sdelay $0x1  }
0x25: {  	[sflag:s23] =	ssyncset.done $0x0  }
0x26: {  	[sflag:s23] =	ssyncadd.s32 $0xFFFFC000  }
.LBB2_1:
0x27: {  	[tilespmem:s4], [sflag:$0x1] =	stream.linear.gather [hbm4b:s5+s4], $0x4000, $0x38;
	[tilespmem:$0x18000] =	vst v63  }
0x28: {  	s0 =	rddreg [dreg:$0x3]  }
0x29: {  	[tilespmem:s12], [sflag:$0x2] =	stream.linear.gather [hbm4b:s0+s4], $0x4000, $0x38;
	[tilespmem:$0x18000] =	vst v63  }
.Ltmp2:
0x2a: {  	_ = 	snop;
	(pc) =	sbr.rel .LBB2_2-.Ltmp2, $4  }
0x2b: {  	s9 =	rddreg [dreg:$0x4]  }
0x2c: {  	[tilespmem:s13], [sflag:$0x3] =	stream.linear.gather [hbm4b:s9+s4], $0x4000, $0x38;
	[tilespmem:$0x18000] =	vst v63  }
0x2d: {  	s11 =	rddreg [dreg:$0x5];
	s31 =	simm.s32 $0x0  }
0x2e: {  	[tilespmem:s14], [sflag:$0x4] =	stream.linear.gather [hbm4b:s11+s4], $0x4000, $0x38;
	[tilespmem:$0x18000] =	vst v63  }
.LBB2_15:
0x2f: {  	[tilespmem:s7+$0x10] =	vst v0;
	s0 =	sor.u32 $0x200, s6;
	s1 =	sadd.s32 $0x10, s6;
	s11 =	sadd.s32 $0x20, s6  }
0x30: {  	p0 =	sgt.u32 s31, $0x3B;
	[tilespmem:s0+$0x0] =	vst v0;
	s9 =	sor.u32 $0x200, s1;
	s7 =	sor.u32 $0x200, s11  }
0x31: {  	s11 =	sadd.s32 s8, s31;
	p1 =	slt.u32 @!p0 s31, $0x2;
	[tilespmem:s9+$0x0] =	vst v0;
	s9 =	sadd.s32 $0x30, s6  }
0x32: {  	p1 =	por p1, p0;
	[tilespmem:s7+$0x0] =	vst v0;
	s7 =	sor.u32 $0x200, s9;
	s9 =	sshll.u32 s11, $0xB  }
0x33: {  	s0 =	simm.s32 @!p1 $0xB;
	[tilespmem:s7+$0x0] =	vst v0;
	s11 =	sadd.s32 s3, s9  }
0x34: {  	[hbm4b:s11+s4] =	stream.linear.scatter [tilespmem:s4], [sflag:$0x7], $0x4000, $0x38;
	[tilespmem:$0x18000] =	vst v63  }
0x35: {  	_ =	swait.ge @!p1 [sflag:s0], $0x4000  }
0x36: {  	s1 =	sadd.s32 @!p0 s31, s10;
	[sflag:s0] =	ssyncset.done @!p1 $0x0  }
0x37: {  	[sflag:s0] =	ssyncadd.s32 @!p1 $0xFFFFC000;
	s0 =	sshll.u32 @!p0 s1, $0xB  }
0x38: {  	s6 =	simm.s32 @!p0 $0x10000;
	s1 =	simm.s32 @!p0 $0x0;
	s0 =	sadd.s32 @!p0 s2, s0  }
0x39: {  	[tilespmem:s6], [sflag:$0x5] =	stream.linear.gather @!p0 [hbm4b:s0+s1], $0x4000, $0x38;
	[tilespmem:$0x18000] =	vst v63  }
.LBB2_25:
0x3a: {  	s31 =	sadd.s32 $0x1, s31  }
0x3b: {  	p0 =	sne.s32 s31, $0x40  }
.Ltmp3:
0x3c: {  	_ = 	snop;
	(pc) =	sbr.rel @!p0 .LBB2_26-.Ltmp3, $1  }
0x3d: {  	_ =	sdelay $0x3  }
.LBB2_2:
0x3e: {  	s0 =	smul.u32 $0xAB, s31;
	_ =	sdelay $0x1  }
0x3f: {  	s0 =	sshrl.u32 s0, $0xA  }
0x40: {  	s0 =	sand.u32 $0x3F, s0  }
0x41: {  	s0 =	smul.u32 $0x6, s0;
	_ =	sdelay $0x1  }
0x42: {  	s0 =	ssub.s32 s31, s0  }
0x43: {  	s0 =	sand.u32 $0xFF, s0  }
0x44: {  	p0 =	sgt.s32 s0, $0x2  }
.Ltmp4:
0x45: {  	_ = 	snop;
	(pc) =	sbr.rel @p0 .LBB2_8-.Ltmp4, $1  }
0x46: {  	_ =	sdelay $0x3  }
0x47: {  	p0 =	seq.s32 s0, $0x0  }
.Ltmp5:
0x48: {  	_ = 	snop;
	(pc) =	sbr.rel @p0 .LBB2_13-.Ltmp5, $1  }
0x49: {  	_ =	sdelay $0x3  }
0x4a: {  	p0 =	seq.s32 s0, $0x1  }
.Ltmp6:
0x4b: {  	_ = 	snop;
	(pc) =	sbr.rel @!p0 .LBB2_16-.Ltmp6, $1  }
0x4c: {  	_ =	sdelay $0x3  }
0x4d: {  	_ =	swait.ge [sflag:s16], $0x4000;
	s0 =	simm.s32 $0x0;
	p0 =	por $0x0, $0x0  }
0x4e: {  	[sflag:s16] =	ssyncset.done $0x0;
	s1 =	sand.u32 $0x40, s0;
	s6 =	sand.u32 $0x3C00, s0  }
0x4f: {  	[sflag:s16] =	ssyncadd.s32 $0xFFFFC000;
	s7 =	sor.u32 s1, s6;
	s1 =	simm.s32 $0x1  }
0x50: {  	s1 =	simm.s32 @!p0 $0x0;
	[tilespmem:s7+$0x4000] =	vst v0  }
0x51: {  	[tilespmem:s7+$0x4030] =	vst v0;
	s1 =	sshll.u32 s1, $0x6  }
0x52: {  	[tilespmem:s7+$0x4020] =	vst v0;
	s6 =	sadd.s32 $0x0, s1;
	s1 =	simm.s32 $0x40  }
.LBB2_6:
0x53: {  	p1 =	sne.s32 s1, $0x7C0;
	[tilespmem:s7+$0x4010] =	vst v0;
	s7 =	sor.u32 $0x200, s6;
	s9 =	sadd.s32 $0x10, s6  }
0x54: {  	s0 =	sadd.s32 $0x200, s0;
	[tilespmem:s7+$0x4000] =	vst v0;
	s7 =	sor.u32 $0x200, s9;
	s9 =	sadd.s32 $0x20, s6  }
0x55: {  	s6 =	sadd.s32 $0x30, s6;
	s11 =	sand.u32 $0x3C00, s0;
	[tilespmem:s7+$0x4000] =	vst v0;
	s7 =	sor.u32 $0x200, s9  }
.Ltmp7:
0x56: {  	s9 =	sand.u32 $0x40, s1;
	s6 =	sor.u32 $0x200, s6;
	[tilespmem:s7+$0x4000] =	vst v0;
	(pc) =	sbr.rel @p1 .LBB2_6-.Ltmp7, $4  }
0x57: {  	p0 =	por !p0, !p0;
	s7 =	sor.u32 s9, s11;
	[tilespmem:s6+$0x4000] =	vst v0;
	s6 =	simm.s32 $0x1  }
0x58: {  	s6 =	simm.s32 @!p0 $0x0;
	[tilespmem:s7+$0x4000] =	vst v0  }
0x59: {  	s6 =	sshll.u32 s6, $0x6;
	[tilespmem:s7+$0x4030] =	vst v0  }
0x5a: {  	s1 =	sadd.s32 $0x40, s1;
	s6 =	sadd.s32 s6, s0;
	[tilespmem:s7+$0x4020] =	vst v0  }
0x5b: {  	[tilespmem:s7+$0x4010] =	vst v0;
	s0 =	sor.u32 $0x200, s6;
	s1 =	sadd.s32 $0x10, s6;
	s11 =	sadd.s32 $0x20, s6  }
0x5c: {  	p0 =	sgt.u32 s31, $0x3B;
	[tilespmem:s0+$0x4000] =	vst v0;
	s9 =	sor.u32 $0x200, s1;
	s7 =	sor.u32 $0x200, s11  }
0x5d: {  	s11 =	sadd.s32 s8, s31;
	p1 =	slt.u32 @!p0 s31, $0x2;
	[tilespmem:s9+$0x4000] =	vst v0;
	s9 =	sadd.s32 $0x30, s6  }
0x5e: {  	p1 =	por p1, p0;
	[tilespmem:s7+$0x4000] =	vst v0;
	s7 =	sor.u32 $0x200, s9;
	s9 =	sshll.u32 s11, $0xB  }
0x5f: {  	s0 =	simm.s32 @!p1 $0xC;
	[tilespmem:s7+$0x4000] =	vst v0;
	s11 =	sadd.s32 s3, s9  }
0x60: {  	[hbm4b:s11+s4] =	stream.linear.scatter [tilespmem:s12], [sflag:$0x8], $0x4000, $0x38;
	[tilespmem:$0x18000] =	vst v63  }
.Ltmp8:
0x61: {  	_ =	swait.ge @!p1 [sflag:s0], $0x4000;
	(pc) =	sbr.rel .LBB2_25-.Ltmp8, $4  }
0x62: {  	s1 =	sadd.s32 @!p0 s31, s10;
	[sflag:s0] =	ssyncset.done @!p1 $0x0  }
0x63: {  	[sflag:s0] =	ssyncadd.s32 @!p1 $0xFFFFC000;
	s0 =	sshll.u32 @!p0 s1, $0xB  }
0x64: {  	s6 =	simm.s32 @!p0 $0x14000;
	s1 =	simm.s32 @!p0 $0x0;
	s0 =	sadd.s32 @!p0 s2, s0  }
0x65: {  	[tilespmem:s6], [sflag:$0x6] =	stream.linear.gather @!p0 [hbm4b:s0+s1], $0x4000, $0x38;
	[tilespmem:$0x18000] =	vst v63  }
.LBB2_8:
0x66: {  	p0 =	seq.s32 s0, $0x3  }
.Ltmp9:
0x67: {  	_ = 	snop;
	(pc) =	sbr.rel @p0 .LBB2_19-.Ltmp9, $1  }
0x68: {  	_ =	sdelay $0x3  }
0x69: {  	p0 =	seq.s32 s0, $0x4  }
.Ltmp10:
0x6a: {  	_ = 	snop;
	(pc) =	sbr.rel @!p0 .LBB2_22-.Ltmp10, $1  }
0x6b: {  	_ =	sdelay $0x3  }
0x6c: {  	_ =	swait.ge [sflag:s25], $0x4000;
	s0 =	simm.s32 $0x0;
	p0 =	por $0x0, $0x0  }
0x6d: {  	[sflag:s25] =	ssyncset.done $0x0;
	s1 =	sand.u32 $0x40, s0;
	s6 =	sand.u32 $0x3C00, s0  }
0x6e: {  	[sflag:s25] =	ssyncadd.s32 $0xFFFFC000;
	s7 =	sor.u32 s1, s6;
	s1 =	simm.s32 $0x1  }
0x6f: {  	s1 =	simm.s32 @!p0 $0x0;
	[tilespmem:s7+$0x10000] =	vst v0  }
0x70: {  	[tilespmem:s7+$0x10030] =	vst v0;
	s1 =	sshll.u32 s1, $0x6  }
0x71: {  	[tilespmem:s7+$0x10020] =	vst v0;
	s6 =	sadd.s32 $0x0, s1;
	s1 =	simm.s32 $0x40  }
.LBB2_11:
0x72: {  	p1 =	sne.s32 s1, $0x7C0;
	[tilespmem:s7+$0x10010] =	vst v0;
	s7 =	sor.u32 $0x200, s6;
	s9 =	sadd.s32 $0x10, s6  }
0x73: {  	s0 =	sadd.s32 $0x200, s0;
	[tilespmem:s7+$0x10000] =	vst v0;
	s7 =	sor.u32 $0x200, s9;
	s9 =	sadd.s32 $0x20, s6  }
0x74: {  	s6 =	sadd.s32 $0x30, s6;
	s11 =	sand.u32 $0x3C00, s0;
	[tilespmem:s7+$0x10000] =	vst v0;
	s7 =	sor.u32 $0x200, s9  }
.Ltmp11:
0x75: {  	s9 =	sand.u32 $0x40, s1;
	s6 =	sor.u32 $0x200, s6;
	[tilespmem:s7+$0x10000] =	vst v0;
	(pc) =	sbr.rel @p1 .LBB2_11-.Ltmp11, $4  }
0x76: {  	p0 =	por !p0, !p0;
	s7 =	sor.u32 s9, s11;
	[tilespmem:s6+$0x10000] =	vst v0;
	s6 =	simm.s32 $0x1  }
0x77: {  	s6 =	simm.s32 @!p0 $0x0;
	[tilespmem:s7+$0x10000] =	vst v0  }
0x78: {  	s6 =	sshll.u32 s6, $0x6;
	[tilespmem:s7+$0x10030] =	vst v0  }
0x79: {  	s1 =	sadd.s32 $0x40, s1;
	s6 =	sadd.s32 s6, s0;
	[tilespmem:s7+$0x10020] =	vst v0  }
0x7a: {  	[tilespmem:s7+$0x10010] =	vst v0;
	s0 =	sor.u32 $0x200, s6;
	s1 =	sadd.s32 $0x10, s6;
	s11 =	sadd.s32 $0x20, s6  }
0x7b: {  	p0 =	sgt.u32 s31, $0x3B;
	[tilespmem:s0+$0x10000] =	vst v0;
	s9 =	sor.u32 $0x200, s1;
	s7 =	sor.u32 $0x200, s11  }
0x7c: {  	s11 =	sadd.s32 s8, s31;
	p1 =	slt.u32 @!p0 s31, $0x2;
	[tilespmem:s9+$0x10000] =	vst v0;
	s9 =	sadd.s32 $0x30, s6  }
0x7d: {  	p1 =	por p1, p0;
	[tilespmem:s7+$0x10000] =	vst v0;
	s7 =	sor.u32 $0x200, s9;
	s9 =	sshll.u32 s11, $0xB  }
0x7e: {  	s0 =	simm.s32 @!p1 $0x9;
	[tilespmem:s7+$0x10000] =	vst v0;
	s11 =	sadd.s32 s3, s9  }
0x7f: {  	[hbm4b:s11+s4] =	stream.linear.scatter [tilespmem:s26], [sflag:$0xB], $0x4000, $0x38;
	[tilespmem:$0x18000] =	vst v63  }
.Ltmp12:
0x80: {  	_ =	swait.ge @!p1 [sflag:s0], $0x4000;
	(pc) =	sbr.rel .LBB2_25-.Ltmp12, $4  }
0x81: {  	s1 =	sadd.s32 @!p0 s31, s10;
	[sflag:s0] =	ssyncset.done @!p1 $0x0  }
0x82: {  	[sflag:s0] =	ssyncadd.s32 @!p1 $0xFFFFC000;
	s0 =	sshll.u32 @!p0 s1, $0xB  }
0x83: {  	s6 =	simm.s32 @!p0 $0x8000;
	s1 =	simm.s32 @!p0 $0x0;
	s0 =	sadd.s32 @!p0 s2, s0  }
0x84: {  	[tilespmem:s6], [sflag:$0x3] =	stream.linear.gather @!p0 [hbm4b:s0+s1], $0x4000, $0x38;
	[tilespmem:$0x18000] =	vst v63  }
.LBB2_13:
0x85: {  	_ =	swait.ge [sflag:s15], $0x4000;
	s0 =	simm.s32 $0x0;
	p0 =	por $0x0, $0x0  }
0x86: {  	[sflag:s15] =	ssyncset.done $0x0;
	s1 =	sand.u32 $0x40, s0;
	s6 =	sand.u32 $0x3C00, s0  }
0x87: {  	[sflag:s15] =	ssyncadd.s32 $0xFFFFC000;
	s7 =	sor.u32 s1, s6;
	s1 =	simm.s32 $0x1  }
0x88: {  	s1 =	simm.s32 @!p0 $0x0;
	[tilespmem:s7+$0x0] =	vst v0  }
0x89: {  	[tilespmem:s7+$0x30] =	vst v0;
	s1 =	sshll.u32 s1, $0x6  }
0x8a: {  	[tilespmem:s7+$0x20] =	vst v0;
	s6 =	sadd.s32 $0x0, s1;
	s1 =	simm.s32 $0x40  }
.LBB2_14:
0x8b: {  	p1 =	sne.s32 s1, $0x7C0;
	[tilespmem:s7+$0x10] =	vst v0;
	s7 =	sor.u32 $0x200, s6;
	s9 =	sadd.s32 $0x10, s6  }
0x8c: {  	s0 =	sadd.s32 $0x200, s0;
	[tilespmem:s7+$0x0] =	vst v0;
	s7 =	sor.u32 $0x200, s9;
	s9 =	sadd.s32 $0x20, s6  }
0x8d: {  	s6 =	sadd.s32 $0x30, s6;
	s11 =	sand.u32 $0x3C00, s0;
	[tilespmem:s7+$0x0] =	vst v0;
	s7 =	sor.u32 $0x200, s9  }
.Ltmp13:
0x8e: {  	s9 =	sand.u32 $0x40, s1;
	s6 =	sor.u32 $0x200, s6;
	[tilespmem:s7+$0x0] =	vst v0;
	(pc) =	sbr.rel @p1 .LBB2_14-.Ltmp13, $4  }
0x8f: {  	p0 =	por !p0, !p0;
	s7 =	sor.u32 s9, s11;
	[tilespmem:s6+$0x0] =	vst v0;
	s6 =	simm.s32 $0x1  }
0x90: {  	s6 =	simm.s32 @!p0 $0x0;
	[tilespmem:s7+$0x0] =	vst v0  }
0x91: {  	s6 =	sshll.u32 s6, $0x6;
	[tilespmem:s7+$0x30] =	vst v0  }
0x92: {  	s1 =	sadd.s32 $0x40, s1;
	s6 =	sadd.s32 s6, s0;
	[tilespmem:s7+$0x20] =	vst v0  }
.Ltmp14:
0x93: {  	_ = 	snop;
	(pc) =	sbr.rel .LBB2_15-.Ltmp14, $1  }
0x94: {  	_ =	sdelay $0x3  }
.LBB2_19:
0x95: {  	_ =	swait.ge [sflag:s24], $0x4000;
	s0 =	simm.s32 $0x0;
	p0 =	por $0x0, $0x0  }
0x96: {  	[sflag:s24] =	ssyncset.done $0x0;
	s1 =	sand.u32 $0x40, s0;
	s6 =	sand.u32 $0x3C00, s0  }
0x97: {  	[sflag:s24] =	ssyncadd.s32 $0xFFFFC000;
	s7 =	sor.u32 s1, s6;
	s1 =	simm.s32 $0x1  }
0x98: {  	s1 =	simm.s32 @!p0 $0x0;
	[tilespmem:s7+$0xC000] =	vst v0  }
0x99: {  	[tilespmem:s7+$0xC030] =	vst v0;
	s1 =	sshll.u32 s1, $0x6  }
0x9a: {  	[tilespmem:s7+$0xC020] =	vst v0;
	s6 =	sadd.s32 $0x0, s1;
	s1 =	simm.s32 $0x40  }
.LBB2_20:
0x9b: {  	p1 =	sne.s32 s1, $0x7C0;
	[tilespmem:s7+$0xC010] =	vst v0;
	s7 =	sor.u32 $0x200, s6;
	s9 =	sadd.s32 $0x10, s6  }
0x9c: {  	s0 =	sadd.s32 $0x200, s0;
	[tilespmem:s7+$0xC000] =	vst v0;
	s7 =	sor.u32 $0x200, s9;
	s9 =	sadd.s32 $0x20, s6  }
0x9d: {  	s6 =	sadd.s32 $0x30, s6;
	s11 =	sand.u32 $0x3C00, s0;
	[tilespmem:s7+$0xC000] =	vst v0;
	s7 =	sor.u32 $0x200, s9  }
.Ltmp15:
0x9e: {  	s9 =	sand.u32 $0x40, s1;
	s6 =	sor.u32 $0x200, s6;
	[tilespmem:s7+$0xC000] =	vst v0;
	(pc) =	sbr.rel @p1 .LBB2_20-.Ltmp15, $4  }
0x9f: {  	p0 =	por !p0, !p0;
	s7 =	sor.u32 s9, s11;
	[tilespmem:s6+$0xC000] =	vst v0;
	s6 =	simm.s32 $0x1  }
0xa0: {  	s6 =	simm.s32 @!p0 $0x0;
	[tilespmem:s7+$0xC000] =	vst v0  }
0xa1: {  	s6 =	sshll.u32 s6, $0x6;
	[tilespmem:s7+$0xC030] =	vst v0  }
0xa2: {  	s1 =	sadd.s32 $0x40, s1;
	s6 =	sadd.s32 s6, s0;
	[tilespmem:s7+$0xC020] =	vst v0  }
0xa3: {  	[tilespmem:s7+$0xC010] =	vst v0;
	s0 =	sor.u32 $0x200, s6;
	s1 =	sadd.s32 $0x10, s6;
	s11 =	sadd.s32 $0x20, s6  }
0xa4: {  	p0 =	sgt.u32 s31, $0x3B;
	[tilespmem:s0+$0xC000] =	vst v0;
	s9 =	sor.u32 $0x200, s1;
	s7 =	sor.u32 $0x200, s11  }
0xa5: {  	s11 =	sadd.s32 s8, s31;
	p1 =	slt.u32 @!p0 s31, $0x2;
	[tilespmem:s9+$0xC000] =	vst v0;
	s9 =	sadd.s32 $0x30, s6  }
0xa6: {  	p1 =	por p1, p0;
	[tilespmem:s7+$0xC000] =	vst v0;
	s7 =	sor.u32 $0x200, s9;
	s9 =	sshll.u32 s11, $0xB  }
0xa7: {  	s0 =	simm.s32 @!p1 $0x8;
	[tilespmem:s7+$0xC000] =	vst v0;
	s11 =	sadd.s32 s3, s9  }
0xa8: {  	[hbm4b:s11+s4] =	stream.linear.scatter [tilespmem:s14], [sflag:$0xA], $0x4000, $0x38;
	[tilespmem:$0x18000] =	vst v63  }
.Ltmp16:
0xa9: {  	_ =	swait.ge @!p1 [sflag:s0], $0x4000;
	(pc) =	sbr.rel .LBB2_25-.Ltmp16, $4  }
0xaa: {  	s1 =	sadd.s32 @!p0 s31, s10;
	[sflag:s0] =	ssyncset.done @!p1 $0x0  }
0xab: {  	[sflag:s0] =	ssyncadd.s32 @!p1 $0xFFFFC000;
	s0 =	sshll.u32 @!p0 s1, $0xB  }
0xac: {  	s6 =	simm.s32 @!p0 $0x4000;
	s1 =	simm.s32 @!p0 $0x0;
	s0 =	sadd.s32 @!p0 s2, s0  }
0xad: {  	[tilespmem:s6], [sflag:$0x2] =	stream.linear.gather @!p0 [hbm4b:s0+s1], $0x4000, $0x38;
	[tilespmem:$0x18000] =	vst v63  }
.LBB2_16:
0xae: {  	_ =	swait.ge [sflag:s17], $0x4000;
	s0 =	simm.s32 $0x0;
	p0 =	por $0x0, $0x0  }
0xaf: {  	[sflag:s17] =	ssyncset.done $0x0;
	s1 =	sand.u32 $0x40, s0;
	s6 =	sand.u32 $0x3C00, s0  }
0xb0: {  	[sflag:s17] =	ssyncadd.s32 $0xFFFFC000;
	s7 =	sor.u32 s1, s6;
	s1 =	simm.s32 $0x1  }
0xb1: {  	s1 =	simm.s32 @!p0 $0x0;
	[tilespmem:s7+$0x8000] =	vst v0  }
0xb2: {  	[tilespmem:s7+$0x8030] =	vst v0;
	s1 =	sshll.u32 s1, $0x6  }
0xb3: {  	[tilespmem:s7+$0x8020] =	vst v0;
	s6 =	sadd.s32 $0x0, s1;
	s1 =	simm.s32 $0x40  }
.LBB2_17:
0xb4: {  	p1 =	sne.s32 s1, $0x7C0;
	[tilespmem:s7+$0x8010] =	vst v0;
	s7 =	sor.u32 $0x200, s6;
	s9 =	sadd.s32 $0x10, s6  }
0xb5: {  	s0 =	sadd.s32 $0x200, s0;
	[tilespmem:s7+$0x8000] =	vst v0;
	s7 =	sor.u32 $0x200, s9;
	s9 =	sadd.s32 $0x20, s6  }
0xb6: {  	s6 =	sadd.s32 $0x30, s6;
	s11 =	sand.u32 $0x3C00, s0;
	[tilespmem:s7+$0x8000] =	vst v0;
	s7 =	sor.u32 $0x200, s9  }
.Ltmp17:
0xb7: {  	s9 =	sand.u32 $0x40, s1;
	s6 =	sor.u32 $0x200, s6;
	[tilespmem:s7+$0x8000] =	vst v0;
	(pc) =	sbr.rel @p1 .LBB2_17-.Ltmp17, $4  }
0xb8: {  	p0 =	por !p0, !p0;
	s7 =	sor.u32 s9, s11;
	[tilespmem:s6+$0x8000] =	vst v0;
	s6 =	simm.s32 $0x1  }
0xb9: {  	s6 =	simm.s32 @!p0 $0x0;
	[tilespmem:s7+$0x8000] =	vst v0  }
0xba: {  	s6 =	sshll.u32 s6, $0x6;
	[tilespmem:s7+$0x8030] =	vst v0  }
0xbb: {  	s1 =	sadd.s32 $0x40, s1;
	s6 =	sadd.s32 s6, s0;
	[tilespmem:s7+$0x8020] =	vst v0  }
0xbc: {  	[tilespmem:s7+$0x8010] =	vst v0;
	s0 =	sor.u32 $0x200, s6;
	s1 =	sadd.s32 $0x10, s6  }
0xbd: {  	s11 =	sadd.s32 $0x20, s6;
	p0 =	sgt.u32 s31, $0x3B;
	[tilespmem:s0+$0x8000] =	vst v0;
	s9 =	sor.u32 $0x200, s1  }
0xbe: {  	s7 =	sor.u32 $0x200, s11;
	s11 =	sadd.s32 s8, s31;
	[tilespmem:s9+$0x8000] =	vst v0;
	s9 =	sadd.s32 $0x30, s6  }
0xbf: {  	p1 =	slt.u32 @!p0 s31, $0x2;
	[tilespmem:s7+$0x8000] =	vst v0;
	s7 =	sor.u32 $0x200, s9;
	s9 =	sshll.u32 s11, $0xB  }
0xc0: {  	p1 =	por p1, p0;
	[tilespmem:s7+$0x8000] =	vst v0;
	s11 =	sadd.s32 s3, s9  }
0xc1: {  	[hbm4b:s11+s4] =	stream.linear.scatter [tilespmem:s13], [sflag:$0x9], $0x4000, $0x38;
	[tilespmem:$0x18000] =	vst v63  }
.Ltmp18:
0xc2: {  	s0 =	simm.s32 @!p1 $0x7;
	(pc) =	sbr.rel .LBB2_25-.Ltmp18, $4  }
0xc3: {  	s1 =	sadd.s32 @!p0 s31, s10;
	_ =	swait.ge @!p1 [sflag:s0], $0x4000  }
0xc4: {  	s1 =	sshll.u32 @!p0 s1, $0xB;
	[sflag:s0] =	ssyncset.done @!p1 $0x0  }
0xc5: {  	[sflag:s0] =	ssyncadd.s32 @!p1 $0xFFFFC000;
	s0 =	sadd.s32 @!p0 s2, s1;
	s1 =	simm.s32 @!p0 $0x0  }
0xc6: {  	[tilespmem:s1], [sflag:$0x1] =	stream.linear.gather @!p0 [hbm4b:s0+s1], $0x4000, $0x38;
	[tilespmem:$0x18000] =	vst v63  }
.LBB2_22:
0xc7: {  	_ =	swait.ge [sflag:s28], $0x4000;
	s0 =	simm.s32 $0x0;
	p0 =	por $0x0, $0x0  }
0xc8: {  	[sflag:s28] =	ssyncset.done $0x0;
	s1 =	sand.u32 $0x40, s0;
	s6 =	sand.u32 $0x3C00, s0  }
0xc9: {  	[sflag:s28] =	ssyncadd.s32 $0xFFFFC000;
	s7 =	sor.u32 s1, s6;
	s1 =	simm.s32 $0x1  }
0xca: {  	s1 =	simm.s32 @!p0 $0x0;
	[tilespmem:s7+$0x14000] =	vst v0  }
0xcb: {  	[tilespmem:s7+$0x14030] =	vst v0;
	s1 =	sshll.u32 s1, $0x6  }
0xcc: {  	[tilespmem:s7+$0x14020] =	vst v0;
	s6 =	sadd.s32 $0x0, s1;
	s1 =	simm.s32 $0x40  }
.LBB2_23:
0xcd: {  	p1 =	sne.s32 s1, $0x7C0;
	[tilespmem:s7+$0x14010] =	vst v0;
	s7 =	sor.u32 $0x200, s6;
	s9 =	sadd.s32 $0x10, s6  }
0xce: {  	s0 =	sadd.s32 $0x200, s0;
	[tilespmem:s7+$0x14000] =	vst v0;
	s7 =	sor.u32 $0x200, s9;
	s9 =	sadd.s32 $0x20, s6  }
0xcf: {  	s6 =	sadd.s32 $0x30, s6;
	s11 =	sand.u32 $0x3C00, s0;
	[tilespmem:s7+$0x14000] =	vst v0;
	s7 =	sor.u32 $0x200, s9  }
.Ltmp19:
0xd0: {  	s9 =	sand.u32 $0x40, s1;
	s6 =	sor.u32 $0x200, s6;
	[tilespmem:s7+$0x14000] =	vst v0;
	(pc) =	sbr.rel @p1 .LBB2_23-.Ltmp19, $4  }
0xd1: {  	p0 =	por !p0, !p0;
	s7 =	sor.u32 s9, s11;
	[tilespmem:s6+$0x14000] =	vst v0;
	s6 =	simm.s32 $0x1  }
0xd2: {  	s6 =	simm.s32 @!p0 $0x0;
	[tilespmem:s7+$0x14000] =	vst v0  }
0xd3: {  	s6 =	sshll.u32 s6, $0x6;
	[tilespmem:s7+$0x14030] =	vst v0  }
0xd4: {  	s1 =	sadd.s32 $0x40, s1;
	s6 =	sadd.s32 s6, s0;
	[tilespmem:s7+$0x14020] =	vst v0  }
0xd5: {  	[tilespmem:s7+$0x14010] =	vst v0;
	s0 =	sor.u32 $0x200, s6;
	s1 =	sadd.s32 $0x10, s6;
	s11 =	sadd.s32 $0x20, s6  }
0xd6: {  	p0 =	sgt.u32 s31, $0x3B;
	[tilespmem:s0+$0x14000] =	vst v0;
	s9 =	sor.u32 $0x200, s1;
	s7 =	sor.u32 $0x200, s11  }
0xd7: {  	s11 =	sadd.s32 s8, s31;
	p1 =	slt.u32 @!p0 s31, $0x2;
	[tilespmem:s9+$0x14000] =	vst v0;
	s9 =	sadd.s32 $0x30, s6  }
0xd8: {  	p1 =	por p1, p0;
	[tilespmem:s7+$0x14000] =	vst v0;
	s7 =	sor.u32 $0x200, s9;
	s9 =	sshll.u32 s11, $0xB  }
0xd9: {  	s0 =	simm.s32 @!p1 $0xA;
	[tilespmem:s7+$0x14000] =	vst v0;
	s11 =	sadd.s32 s3, s9  }
0xda: {  	[hbm4b:s11+s4] =	stream.linear.scatter [tilespmem:s29], [sflag:$0xC], $0x4000, $0x38;
	[tilespmem:$0x18000] =	vst v63  }
.Ltmp20:
0xdb: {  	_ =	swait.ge @!p1 [sflag:s0], $0x4000;
	(pc) =	sbr.rel .LBB2_25-.Ltmp20, $4  }
0xdc: {  	s1 =	sadd.s32 @!p0 s31, s10;
	[sflag:s0] =	ssyncset.done @!p1 $0x0  }
0xdd: {  	[sflag:s0] =	ssyncadd.s32 @!p1 $0xFFFFC000;
	s0 =	sshll.u32 @!p0 s1, $0xB  }
0xde: {  	s6 =	simm.s32 @!p0 $0xC000;
	s1 =	simm.s32 @!p0 $0x0;
	s0 =	sadd.s32 @!p0 s2, s0  }
0xdf: {  	[tilespmem:s6], [sflag:$0x4] =	stream.linear.gather @!p0 [hbm4b:s0+s1], $0x4000, $0x38;
	[tilespmem:$0x18000] =	vst v63  }
.LBB2_27:
0xe0: {  	_ =	sfence.sel $0x180000  }
0xe1: {  	[bflag:$0x0] =	sbarrier.arrive $0xFFFF  }
0xe2: {  	_ =	strace $0x90000047  }
0xe3: {  	s0 =	stileid.u32;
	[bflag:$0x2] =	sbarrier.arrive $0xFFFF  }
0xe4: {  	p0 =	sne.s32 s0, $0x0;
	s0 =	rddreg [dreg:$0x2]  }
0xe5: {  	s0 =	sadd.s32 @!p0 $0x100000, s0  }
0xe6: {  	[sflag:s0] =	ssyncadd.tile.s32 @!p0 $0x1;
	_ =	shalt  }
.Lfunc_end2:
_tile_overlayer_lowered:
.L_overlay_start_2:
0xe7: {  	(tag) =	ssettag $0x2  }
0xe8: {  	s0 =	rddreg [dreg:$0x0];
	s2 =	stileid.u32  }
0xe9: {  	s1 =	rddreg [dreg:$0x1];
	p0 =	sne.s32 s2, $0x0  }
0xea: {  	s3 =	rddreg [dreg:$0x2];
	[bflag:$0x3] =	sbarrier.arrive $0xFFFF;
	s2 =	simm.s32 @!p0 $0x1C0D  }
0xeb: {  	[timem:s3], [sflag:s2] =	dma.local @!p0 [hbm:s0], s1  }
0xec: {  	s0 =	simm.s32 @!p0 $0xD  }
0xed: {  	_ =	swait.ge @!p0 [sflag:s0], s1  }
0xee: {  	s1 =	ssub.s32 @!p0 $0x0, s1;
	[sflag:s0] =	ssyncset.done @!p0 $0x0  }
0xef: {  	[sflag:s0] =	ssyncadd.s32 @!p0 s1  }
0xf0: {  	[bflag:$0x3] =	sbarrier.arrive $0xFFFF  }
0xf1: {  	_ =	shalt  }

</sc_bundles>
